<compile_context>
chip_gen: v7x
topology: tpu7x:2x2x1
jax: 0.10.2.dev20260603
libtpu: 0.0.44.dev20260713+nightly
codegen_flags: <defaults>
</compile_context>

<pallas_src>
import functools

import jax
import jax.numpy as jnp
from jax import lax
from jax.experimental import pallas as pl
from jax.experimental.pallas import tpu as pltpu
from jax.experimental.pallas import tpu_sc as plsc

NC = 2
NS = 16
NW = NC * NS

CHUNK = 128
L = 16

N_CHUNKS_C0 = 144
N_CHUNKS_C1 = 16


def _sc_scatter_kernel(n_pad, n0, n1, d):
    mesh = plsc.VectorSubcoreMesh(core_axis_name="c", subcore_axis_name="s")
    z_rows = n_pad // NS
    n_max = max(n0, n1)

    @functools.partial(
        pl.kernel,
        out_type=(
            jax.ShapeDtypeStruct((n_pad, d), jnp.float32),
            jax.ShapeDtypeStruct((n_pad, d), jnp.float32),
        ),
        mesh=mesh,
        scratch_types=[
            pltpu.VMEM((n_max, CHUNK), jnp.int32),
            pltpu.VMEM((CHUNK,), jnp.int32),
            pltpu.VMEM((CHUNK,), jnp.int32),
            pltpu.VMEM((CHUNK, d), jnp.float32),
            pltpu.VMEM_SHARED((n_pad, d), jnp.float32),
            pltpu.SemaphoreType.DMA,
        ],
    )
    def sc_kernel(x_hbm, idx_hbm, zeros_hbm, out0, out1,
                  idx_v, src_b, dst_b, rows_v, agg_sh, gsem):
        c = lax.axis_index("c")
        s = lax.axis_index("s")

        start = pl.multiple_of(jnp.where(c == 0, s * n0, NS * n0 + s * n1), 8)
        count = jnp.where(c == 0, n0, n1)
        pltpu.sync_copy(idx_hbm.at[pl.ds(start, n_max)], idx_v)

        zslice = pl.ds(s * z_rows, z_rows)
        pltpu.sync_copy(zeros_hbm.at[zslice], agg_sh.at[zslice])
        plsc.subcore_barrier()

        def body(j, carry):
            for k in range(CHUNK // L):
                v = idx_v[j, pl.ds(k * L, L)]
                src_b[pl.ds(k * L, L)] = v & 0xFFFF
                dst_b[pl.ds(k * L, L)] = lax.shift_right_logical(v, 16)
            pltpu.async_copy(x_hbm.at[src_b], rows_v, gsem).wait()
            pltpu.sync_copy(rows_v, agg_sh.at[dst_b], add=True)
            return carry

        lax.fori_loop(0, count, body, 0, unroll=False)
        plsc.subcore_barrier()

        @pl.when(c == 0)
        def _():
            pltpu.sync_copy(agg_sh.at[zslice], out0.at[zslice])

        @pl.when(c == 1)
        def _():
            pltpu.sync_copy(agg_sh.at[zslice], out1.at[zslice])

    return sc_kernel


def _tc_layer_kernel(a0, a1, x, w_rel_t, w_root_t, b_row):
    n, d = x.shape
    blk = 2000
    grid = (n // blk,)

    def body(a0_ref, a1_ref, x_ref, wr_ref, wo_ref, b_ref, o_ref):
        agg = a0_ref[...] + a1_ref[...]
        acc = jnp.dot(agg, wr_ref[...], preferred_element_type=jnp.float32)
        acc += jnp.dot(x_ref[...], wo_ref[...], preferred_element_type=jnp.float32)
        o_ref[...] = jnp.maximum(acc + b_ref[...], 0.0)

    row_spec = pl.BlockSpec((blk, d), lambda i: (i, 0))
    full_spec = pl.BlockSpec((d, d), lambda i: (0, 0))
    bias_spec = pl.BlockSpec((1, d), lambda i: (0, 0))
    return pl.pallas_call(
        body,
        grid=grid,
        in_specs=[row_spec, row_spec, row_spec, full_spec, full_spec, bias_spec],
        out_specs=row_spec,
        out_shape=jax.ShapeDtypeStruct((n, d), jnp.float32),
    )(a0, a1, x, w_rel_t, w_root_t, b_row)


def kernel(x, edge_index, dropout, W1_rel, b1_rel, W1_root, W2_rel, b2_rel, W2_root):
    n, d = x.shape
    e = edge_index.shape[1]

    n0, n1 = N_CHUNKS_C0, N_CHUNKS_C1
    e_pad = NS * (n0 + n1) * CHUNK
    n_pad = 128 * (-(-(n + 1) // 128))
    assert n < 2**15 and e_pad >= e and n0 % 8 == 0 and n1 % 8 == 0

    packed = edge_index[0] | (edge_index[1] << 16)
    pad = e_pad - e
    if pad:
        packed = jnp.concatenate(
            [packed, jnp.full((pad,), n << 16, jnp.int32)])
    packed = packed.reshape(NS * (n0 + n1), CHUNK)
    zeros = jnp.zeros((n_pad, d), jnp.float32)

    sc_scatter = _sc_scatter_kernel(n_pad, n0, n1, d)

    a0, a1 = sc_scatter(x, packed, zeros)
    h = _tc_layer_kernel(a0[:n], a1[:n], x, W1_rel.T, W1_root.T,
                         b1_rel.reshape(1, d))
    a0, a1 = sc_scatter(h, packed, zeros)
    out = _tc_layer_kernel(a0[:n], a1[:n], h, W2_rel.T, W2_root.T,
                           b2_rel.reshape(1, d))
    return out

# --- scband reference (transcript-rebuilt; emitter-appended) ---
"""Pipeline reference for scband-graphgnn-68453188764135 (READ-ONLY COPY).

The authoritative reference and input builder live on the scoring server;
editing this copy changes nothing except your own understanding.
"""

import jax, jax.numpy as jnp
import numpy as np

N = 10000
E = 320000
D = 128


def setup_inputs(seed: int = 0) -> dict:
    key = jax.random.key(seed)
    ks = jax.random.split(key, 8)
    x = jax.random.normal(ks[0], (N, D), dtype=jnp.float32)
    edge_index = jax.random.randint(ks[1], (2, E), 0, N, dtype=jnp.int32)
    s = 1.0 / np.sqrt(D)
    W1_rel = jax.random.normal(ks[2], (D, D), dtype=jnp.float32) * s
    b1_rel = jnp.zeros((D,), dtype=jnp.float32)
    W1_root = jax.random.normal(ks[3], (D, D), dtype=jnp.float32) * s
    W2_rel = jax.random.normal(ks[4], (D, D), dtype=jnp.float32) * s
    b2_rel = jnp.zeros((D,), dtype=jnp.float32)
    W2_root = jax.random.normal(ks[5], (D, D), dtype=jnp.float32) * s
    return {
        "x": x,
        "edge_index": edge_index,
        "dropout": False,
        "W1_rel": W1_rel,
        "b1_rel": b1_rel,
        "W1_root": W1_root,
        "W2_rel": W2_rel,
        "b2_rel": b2_rel,
        "W2_root": W2_root,
    }


def graph_conv(x, edge_index, W_rel, b_rel, W_root):
    # PyG GraphConv (aggr='add'): out = lin_rel(sum_{j in N(i)} x_j) + lin_root(x_i)
    src = edge_index[0]
    dst = edge_index[1]
    msgs = jnp.take(x, src, axis=0)                       # gather source-node features
    agg = jax.ops.segment_sum(msgs, dst, num_segments=x.shape[0])  # scatter-add to dst
    return agg @ W_rel.T + b_rel + x @ W_root.T


def reference(x, edge_index, dropout, W1_rel, b1_rel, W1_root, W2_rel, b2_rel, W2_root):
    # multi_gnn = False branch: x = relu(conv1(x, ei)); x = relu(conv2(x, ei))
    h = jax.nn.relu(graph_conv(x, edge_index, W1_rel, b1_rel, W1_root))
    out = jax.nn.relu(graph_conv(h, edge_index, W2_rel, b2_rel, W2_root))
    return out

if __name__ == "__main__":
    import jax
    _d = setup_inputs()
    print(jax.jit(kernel)(*tuple(_d.values())))

</pallas_src>

<mosaic_0001>
#map = affine_map<(d0, d1) -> (0, 0)>
module attributes {stable_mosaic.version = 14 : i64} {
  func.func @sc_kernel(%arg0: i32, %arg1: i32, %arg2: memref<10000x128xf32, #tpu.memory_space<hbm>>, %arg3: memref<2560x128xi32, #tpu.memory_space<hbm>>, %arg4: memref<10112x128xf32, #tpu.memory_space<hbm>>, %arg5: memref<10112x128xf32, #tpu.memory_space<hbm>>, %arg6: memref<10112x128xf32, #tpu.memory_space<hbm>>, %arg7: memref<144x128xi32, #tpu.memory_space<vmem>>, %arg8: memref<128xi32, #tpu.memory_space<vmem>>, %arg9: memref<128xi32, #tpu.memory_space<vmem>>, %arg10: memref<128x128xf32, #tpu.memory_space<vmem>>, %arg11: memref<10112x128xf32, #tpu.memory_space<vmem_shared>>, %arg12: memref<!tpu.dma_semaphore, #tpu.memory_space<semaphore_mem>>) attributes {dimension_semantics = [#tpu.dimension_semantics<core_parallel>, #tpu.dimension_semantics<subcore_parallel>], iteration_bounds = array<i64: 2, 16>, scalar_prefetch = 0 : i64, scratch_operands = 6 : i64, tpu.core_type = #tpu.core_type<sc_vector_subcore>, window_params = [{transform_indices = #map}, {transform_indices = #map}, {transform_indices = #map}, {transform_indices = #map}, {transform_indices = #map}]} {
    %eq3A = arith.constant 0 : i32
    %eq3A_0 = arith.cmpi eq, %arg0, %eq3A : i32
    %mul3A = arith.constant 144 : i32
    %mul3A_1 = arith.muli %arg1, %mul3A : i32
    %mul3A_2 = arith.constant 16 : i32
    %mul3A_3 = arith.muli %arg1, %mul3A_2 : i32
    %add3A = arith.constant 2304 : i32
    %add3A_4 = arith.addi %add3A, %mul3A_3 : i32
    %select_n3A = arith.select %eq3A_0, %mul3A_1, %add3A_4 : i32
    %multiple_of3A = tpu.assume_multiple %select_n3A, 8 : i32
    %eq3A_5 = arith.constant 0 : i32
    %eq3A_6 = arith.cmpi eq, %arg0, %eq3A_5 : i32
    %jit3A = arith.constant 144 : i32
    %jit3A_7 = arith.constant 16 : i32
    %select_n3A_8 = arith.select %eq3A_6, %jit3A, %jit3A_7 : i32
    "tpu.region"() ({
      %run_scoped3A = tpu.sem_alloc : memref<!tpu.dma_semaphore, #tpu.memory_space<semaphore_mem>>
      %dma_start3A = arith.constant 0 : i32
      %dma_start3A_29 = tpu.memref_slice %arg3[%multiple_of3A, %dma_start3A] : memref<2560x128xi32, #tpu.memory_space<hbm>> -> memref<144x128xi32, #tpu.memory_space<hbm>>
      %dma_start3A_30 = arith.constant 0 : i32
      %dma_start3A_31 = tpu.memref_slice %arg3[%multiple_of3A, %dma_start3A_30] : memref<2560x128xi32, #tpu.memory_space<hbm>> -> memref<144x128xi32, #tpu.memory_space<hbm>>
      tpu.enqueue_dma source(%dma_start3A_31 : memref<144x128xi32, #tpu.memory_space<hbm>>) target(%arg7 : memref<144x128xi32, #tpu.memory_space<vmem>>) target_semaphore(%run_scoped3A : memref<!tpu.dma_semaphore, #tpu.memory_space<semaphore_mem>>)
      %dma_wait3A = arith.constant 0 : i32
      %dma_wait3A_32 = tpu.memref_slice %arg3[%multiple_of3A, %dma_wait3A] : memref<2560x128xi32, #tpu.memory_space<hbm>> -> memref<144x128xi32, #tpu.memory_space<hbm>>
      %dma_wait3A_33 = arith.constant 0 : i32
      %dma_wait3A_34 = tpu.memref_slice %arg3[%multiple_of3A, %dma_wait3A_33] : memref<2560x128xi32, #tpu.memory_space<hbm>> -> memref<144x128xi32, #tpu.memory_space<hbm>>
      tpu.wait_dma2 semaphore(%run_scoped3A : memref<!tpu.dma_semaphore, #tpu.memory_space<semaphore_mem>>) src(%dma_wait3A_34 : memref<144x128xi32, #tpu.memory_space<hbm>>) dst(%arg7 : memref<144x128xi32, #tpu.memory_space<vmem>>)
      tpu.yield
    }) : () -> ()
    %mul3A_9 = arith.constant 632 : i32
    %mul3A_10 = arith.muli %arg1, %mul3A_9 : i32
    "tpu.region"() ({
      %run_scoped3A = tpu.sem_alloc : memref<!tpu.dma_semaphore, #tpu.memory_space<semaphore_mem>>
      %dma_start3A = arith.constant 0 : i32
      %dma_start3A_29 = tpu.memref_slice %arg11[%mul3A_10, %dma_start3A] : memref<10112x128xf32, #tpu.memory_space<vmem_shared>> -> memref<632x128xf32, #tpu.memory_space<vmem_shared>>
      %dma_start3A_30 = arith.constant 0 : i32
      %dma_start3A_31 = tpu.memref_slice %arg4[%mul3A_10, %dma_start3A_30] : memref<10112x128xf32, #tpu.memory_space<hbm>> -> memref<632x128xf32, #tpu.memory_space<hbm>>
      tpu.enqueue_dma source(%dma_start3A_31 : memref<632x128xf32, #tpu.memory_space<hbm>>) target(%dma_start3A_29 : memref<632x128xf32, #tpu.memory_space<vmem_shared>>) target_semaphore(%run_scoped3A : memref<!tpu.dma_semaphore, #tpu.memory_space<semaphore_mem>>)
      %dma_wait3A = arith.constant 0 : i32
      %dma_wait3A_32 = tpu.memref_slice %arg11[%mul3A_10, %dma_wait3A] : memref<10112x128xf32, #tpu.memory_space<vmem_shared>> -> memref<632x128xf32, #tpu.memory_space<vmem_shared>>
      %dma_wait3A_33 = arith.constant 0 : i32
      %dma_wait3A_34 = tpu.memref_slice %arg4[%mul3A_10, %dma_wait3A_33] : memref<10112x128xf32, #tpu.memory_space<hbm>> -> memref<632x128xf32, #tpu.memory_space<hbm>>
      tpu.wait_dma2 semaphore(%run_scoped3A : memref<!tpu.dma_semaphore, #tpu.memory_space<semaphore_mem>>) src(%dma_wait3A_34 : memref<632x128xf32, #tpu.memory_space<hbm>>) dst(%dma_wait3A_32 : memref<632x128xf32, #tpu.memory_space<vmem_shared>>)
      tpu.yield
    }) : () -> ()
    %barrier3A = arith.constant 0 : index
    tpu.barrier barrier_id(%barrier3A)
    %while3A = arith.constant 0 : i32
    %while3A_11 = arith.constant 0 : i32
    %while3A_12 = arith.subi %select_n3A_8, %while3A_11 : i32
    %while3A_13 = arith.addi %while3A_11, %while3A_12 : i32
    %while3A_14 = arith.constant 1 : i32
    %while3A_15 = arith.divsi %while3A_12, %while3A_14 : i32
    %while3A_16 = arith.muli %while3A_15, %while3A_14 : i32
    %while3A_17 = arith.addi %while3A_11, %while3A_16 : i32
    %while3A_18 = arith.constant 1 : i32
    scf.for %while3A_29 = %while3A_11 to %while3A_17 step %while3A_18  : i32 {
      %get3A = arith.index_cast %while3A_29 : i32 to index
      %get3A_30 = arith.constant 0 : index
      %get3A_31 = tpu.vector_load %arg7[%get3A, %get3A_30] {strides = array<i32>} : memref<144x128xi32, #tpu.memory_space<vmem>>, vector<1x16xi32>,
      %get3A_32 = vector.shape_cast %get3A_31 : vector<1x16xi32> to vector<16xi32>
      %and3A = arith.constant 65535 : i32
      %and3A_33 = vector.broadcast %and3A : i32 to vector<16xi32>
      %and3A_34 = arith.andi %get3A_32, %and3A_33 : vector<16xi32>
      %swap3A = arith.constant 0 : index
      %swap3A_35 = tpu.vector_load %arg8[%swap3A] {strides = array<i32>} : memref<128xi32, #tpu.memory_space<vmem>>, vector<16xi32>,
      %swap3A_36 = vector.shape_cast %swap3A_35 : vector<16xi32> to vector<16xi32>
      %swap3A_37 = vector.shape_cast %and3A_34 : vector<16xi32> to vector<16xi32>
      tpu.vector_store %arg8[%swap3A], %swap3A_37 {strides = array<i32>} : memref<128xi32, #tpu.memory_space<vmem>>, vector<16xi32>,
      %shift_right_logical3A = arith.constant 16 : i32
      %shift_right_logical3A_38 = vector.broadcast %shift_right_logical3A : i32 to vector<16xi32>
      %shift_right_logical3A_39 = arith.shrui %get3A_32, %shift_right_logical3A_38 : vector<16xi32>
      %swap3A_40 = arith.constant 0 : index
      %swap3A_41 = tpu.vector_load %arg9[%swap3A_40] {strides = array<i32>} : memref<128xi32, #tpu.memory_space<vmem>>, vector<16xi32>,
      %swap3A_42 = vector.shape_cast %swap3A_41 : vector<16xi32> to vector<16xi32>
      %swap3A_43 = vector.shape_cast %shift_right_logical3A_39 : vector<16xi32> to vector<16xi32>
      tpu.vector_store %arg9[%swap3A_40], %swap3A_43 {strides = array<i32>} : memref<128xi32, #tpu.memory_space<vmem>>, vector<16xi32>,
      %get3A_44 = arith.index_cast %while3A_29 : i32 to index
      %get3A_45 = arith.constant 16 : index
      %get3A_46 = tpu.vector_load %arg7[%get3A_44, %get3A_45] {strides = array<i32>} : memref<144x128xi32, #tpu.memory_space<vmem>>, vector<1x16xi32>,
      %get3A_47 = vector.shape_cast %get3A_46 : vector<1x16xi32> to vector<16xi32>
      %and3A_48 = arith.constant 65535 : i32
      %and3A_49 = vector.broadcast %and3A_48 : i32 to vector<16xi32>
      %and3A_50 = arith.andi %get3A_47, %and3A_49 : vector<16xi32>
      %swap3A_51 = arith.constant 16 : index
      %swap3A_52 = tpu.vector_load %arg8[%swap3A_51] {strides = array<i32>} : memref<128xi32, #tpu.memory_space<vmem>>, vector<16xi32>,
      %swap3A_53 = vector.shape_cast %swap3A_52 : vector<16xi32> to vector<16xi32>
      %swap3A_54 = vector.shape_cast %and3A_50 : vector<16xi32> to vector<16xi32>
      tpu.vector_store %arg8[%swap3A_51], %swap3A_54 {strides = array<i32>} : memref<128xi32, #tpu.memory_space<vmem>>, vector<16xi32>,
      %shift_right_logical3A_55 = arith.constant 16 : i32
      %shift_right_logical3A_56 = vector.broadcast %shift_right_logical3A_55 : i32 to vector<16xi32>
      %shift_right_logical3A_57 = arith.shrui %get3A_47, %shift_right_logical3A_56 : vector<16xi32>
      %swap3A_58 = arith.constant 16 : index
      %swap3A_59 = tpu.vector_load %arg9[%swap3A_58] {strides = array<i32>} : memref<128xi32, #tpu.memory_space<vmem>>, vector<16xi32>,
      %swap3A_60 = vector.shape_cast %swap3A_59 : vector<16xi32> to vector<16xi32>
      %swap3A_61 = vector.shape_cast %shift_right_logical3A_57 : vector<16xi32> to vector<16xi32>
      tpu.vector_store %arg9[%swap3A_58], %swap3A_61 {strides = array<i32>} : memref<128xi32, #tpu.memory_space<vmem>>, vector<16xi32>,
      %get3A_62 = arith.index_cast %while3A_29 : i32 to index
      %get3A_63 = arith.constant 32 : index
      %get3A_64 = tpu.vector_load %arg7[%get3A_62, %get3A_63] {strides = array<i32>} : memref<144x128xi32, #tpu.memory_space<vmem>>, vector<1x16xi32>,
      %get3A_65 = vector.shape_cast %get3A_64 : vector<1x16xi32> to vector<16xi32>
      %and3A_66 = arith.constant 65535 : i32
      %and3A_67 = vector.broadcast %and3A_66 : i32 to vector<16xi32>
      %and3A_68 = arith.andi %get3A_65, %and3A_67 : vector<16xi32>
      %swap3A_69 = arith.constant 32 : index
      %swap3A_70 = tpu.vector_load %arg8[%swap3A_69] {strides = array<i32>} : memref<128xi32, #tpu.memory_space<vmem>>, vector<16xi32>,
      %swap3A_71 = vector.shape_cast %swap3A_70 : vector<16xi32> to vector<16xi32>
      %swap3A_72 = vector.shape_cast %and3A_68 : vector<16xi32> to vector<16xi32>
      tpu.vector_store %arg8[%swap3A_69], %swap3A_72 {strides = array<i32>} : memref<128xi32, #tpu.memory_space<vmem>>, vector<16xi32>,
      %shift_right_logical3A_73 = arith.constant 16 : i32
      %shift_right_logical3A_74 = vector.broadcast %shift_right_logical3A_73 : i32 to vector<16xi32>
      %shift_right_logical3A_75 = arith.shrui %get3A_65, %shift_right_logical3A_74 : vector<16xi32>
      %swap3A_76 = arith.constant 32 : index
      %swap3A_77 = tpu.vector_load %arg9[%swap3A_76] {strides = array<i32>} : memref<128xi32, #tpu.memory_space<vmem>>, vector<16xi32>,
      %swap3A_78 = vector.shape_cast %swap3A_77 : vector<16xi32> to vector<16xi32>
      %swap3A_79 = vector.shape_cast %shift_right_logical3A_75 : vector<16xi32> to vector<16xi32>
      tpu.vector_store %arg9[%swap3A_76], %swap3A_79 {strides = array<i32>} : memref<128xi32, #tpu.memory_space<vmem>>, vector<16xi32>,
      %get3A_80 = arith.index_cast %while3A_29 : i32 to index
      %get3A_81 = arith.constant 48 : index
      %get3A_82 = tpu.vector_load %arg7[%get3A_80, %get3A_81] {strides = array<i32>} : memref<144x128xi32, #tpu.memory_space<vmem>>, vector<1x16xi32>,
      %get3A_83 = vector.shape_cast %get3A_82 : vector<1x16xi32> to vector<16xi32>
      %and3A_84 = arith.constant 65535 : i32
      %and3A_85 = vector.broadcast %and3A_84 : i32 to vector<16xi32>
      %and3A_86 = arith.andi %get3A_83, %and3A_85 : vector<16xi32>
      %swap3A_87 = arith.constant 48 : index
      %swap3A_88 = tpu.vector_load %arg8[%swap3A_87] {strides = array<i32>} : memref<128xi32, #tpu.memory_space<vmem>>, vector<16xi32>,
      %swap3A_89 = vector.shape_cast %swap3A_88 : vector<16xi32> to vector<16xi32>
      %swap3A_90 = vector.shape_cast %and3A_86 : vector<16xi32> to vector<16xi32>
      tpu.vector_store %arg8[%swap3A_87], %swap3A_90 {strides = array<i32>} : memref<128xi32, #tpu.memory_space<vmem>>, vector<16xi32>,
      %shift_right_logical3A_91 = arith.constant 16 : i32
      %shift_right_logical3A_92 = vector.broadcast %shift_right_logical3A_91 : i32 to vector<16xi32>
      %shift_right_logical3A_93 = arith.shrui %get3A_83, %shift_right_logical3A_92 : vector<16xi32>
      %swap3A_94 = arith.constant 48 : index
      %swap3A_95 = tpu.vector_load %arg9[%swap3A_94] {strides = array<i32>} : memref<128xi32, #tpu.memory_space<vmem>>, vector<16xi32>,
      %swap3A_96 = vector.shape_cast %swap3A_95 : vector<16xi32> to vector<16xi32>
      %swap3A_97 = vector.shape_cast %shift_right_logical3A_93 : vector<16xi32> to vector<16xi32>
      tpu.vector_store %arg9[%swap3A_94], %swap3A_97 {strides = array<i32>} : memref<128xi32, #tpu.memory_space<vmem>>, vector<16xi32>,
      %get3A_98 = arith.index_cast %while3A_29 : i32 to index
      %get3A_99 = arith.constant 64 : index
      %get3A_100 = tpu.vector_load %arg7[%get3A_98, %get3A_99] {strides = array<i32>} : memref<144x128xi32, #tpu.memory_space<vmem>>, vector<1x16xi32>,
      %get3A_101 = vector.shape_cast %get3A_100 : vector<1x16xi32> to vector<16xi32>
      %and3A_102 = arith.constant 65535 : i32
      %and3A_103 = vector.broadcast %and3A_102 : i32 to vector<16xi32>
      %and3A_104 = arith.andi %get3A_101, %and3A_103 : vector<16xi32>
      %swap3A_105 = arith.constant 64 : index
      %swap3A_106 = tpu.vector_load %arg8[%swap3A_105] {strides = array<i32>} : memref<128xi32, #tpu.memory_space<vmem>>, vector<16xi32>,
      %swap3A_107 = vector.shape_cast %swap3A_106 : vector<16xi32> to vector<16xi32>
      %swap3A_108 = vector.shape_cast %and3A_104 : vector<16xi32> to vector<16xi32>
      tpu.vector_store %arg8[%swap3A_105], %swap3A_108 {strides = array<i32>} : memref<128xi32, #tpu.memory_space<vmem>>, vector<16xi32>,
      %shift_right_logical3A_109 = arith.constant 16 : i32
      %shift_right_logical3A_110 = vector.broadcast %shift_right_logical3A_109 : i32 to vector<16xi32>
      %shift_right_logical3A_111 = arith.shrui %get3A_101, %shift_right_logical3A_110 : vector<16xi32>
      %swap3A_112 = arith.constant 64 : index
      %swap3A_113 = tpu.vector_load %arg9[%swap3A_112] {strides = array<i32>} : memref<128xi32, #tpu.memory_space<vmem>>, vector<16xi32>,
      %swap3A_114 = vector.shape_cast %swap3A_113 : vector<16xi32> to vector<16xi32>
      %swap3A_115 = vector.shape_cast %shift_right_logical3A_111 : vector<16xi32> to vector<16xi32>
      tpu.vector_store %arg9[%swap3A_112], %swap3A_115 {strides = array<i32>} : memref<128xi32, #tpu.memory_space<vmem>>, vector<16xi32>,
      %get3A_116 = arith.index_cast %while3A_29 : i32 to index
      %get3A_117 = arith.constant 80 : index
      %get3A_118 = tpu.vector_load %arg7[%get3A_116, %get3A_117] {strides = array<i32>} : memref<144x128xi32, #tpu.memory_space<vmem>>, vector<1x16xi32>,
      %get3A_119 = vector.shape_cast %get3A_118 : vector<1x16xi32> to vector<16xi32>
      %and3A_120 = arith.constant 65535 : i32
      %and3A_121 = vector.broadcast %and3A_120 : i32 to vector<16xi32>
      %and3A_122 = arith.andi %get3A_119, %and3A_121 : vector<16xi32>
      %swap3A_123 = arith.constant 80 : index
      %swap3A_124 = tpu.vector_load %arg8[%swap3A_123] {strides = array<i32>} : memref<128xi32, #tpu.memory_space<vmem>>, vector<16xi32>,
      %swap3A_125 = vector.shape_cast %swap3A_124 : vector<16xi32> to vector<16xi32>
      %swap3A_126 = vector.shape_cast %and3A_122 : vector<16xi32> to vector<16xi32>
      tpu.vector_store %arg8[%swap3A_123], %swap3A_126 {strides = array<i32>} : memref<128xi32, #tpu.memory_space<vmem>>, vector<16xi32>,
      %shift_right_logical3A_127 = arith.constant 16 : i32
      %shift_right_logical3A_128 = vector.broadcast %shift_right_logical3A_127 : i32 to vector<16xi32>
      %shift_right_logical3A_129 = arith.shrui %get3A_119, %shift_right_logical3A_128 : vector<16xi32>
      %swap3A_130 = arith.constant 80 : index
      %swap3A_131 = tpu.vector_load %arg9[%swap3A_130] {strides = array<i32>} : memref<128xi32, #tpu.memory_space<vmem>>, vector<16xi32>,
      %swap3A_132 = vector.shape_cast %swap3A_131 : vector<16xi32> to vector<16xi32>
      %swap3A_133 = vector.shape_cast %shift_right_logical3A_129 : vector<16xi32> to vector<16xi32>
      tpu.vector_store %arg9[%swap3A_130], %swap3A_133 {strides = array<i32>} : memref<128xi32, #tpu.memory_space<vmem>>, vector<16xi32>,
      %get3A_134 = arith.index_cast %while3A_29 : i32 to index
      %get3A_135 = arith.constant 96 : index
      %get3A_136 = tpu.vector_load %arg7[%get3A_134, %get3A_135] {strides = array<i32>} : memref<144x128xi32, #tpu.memory_space<vmem>>, vector<1x16xi32>,
      %get3A_137 = vector.shape_cast %get3A_136 : vector<1x16xi32> to vector<16xi32>
      %and3A_138 = arith.constant 65535 : i32
      %and3A_139 = vector.broadcast %and3A_138 : i32 to vector<16xi32>
      %and3A_140 = arith.andi %get3A_137, %and3A_139 : vector<16xi32>
      %swap3A_141 = arith.constant 96 : index
      %swap3A_142 = tpu.vector_load %arg8[%swap3A_141] {strides = array<i32>} : memref<128xi32, #tpu.memory_space<vmem>>, vector<16xi32>,
      %swap3A_143 = vector.shape_cast %swap3A_142 : vector<16xi32> to vector<16xi32>
      %swap3A_144 = vector.shape_cast %and3A_140 : vector<16xi32> to vector<16xi32>
      tpu.vector_store %arg8[%swap3A_141], %swap3A_144 {strides = array<i32>} : memref<128xi32, #tpu.memory_space<vmem>>, vector<16xi32>,
      %shift_right_logical3A_145 = arith.constant 16 : i32
      %shift_right_logical3A_146 = vector.broadcast %shift_right_logical3A_145 : i32 to vector<16xi32>
      %shift_right_logical3A_147 = arith.shrui %get3A_137, %shift_right_logical3A_146 : vector<16xi32>
      %swap3A_148 = arith.constant 96 : index
      %swap3A_149 = tpu.vector_load %arg9[%swap3A_148] {strides = array<i32>} : memref<128xi32, #tpu.memory_space<vmem>>, vector<16xi32>,
      %swap3A_150 = vector.shape_cast %swap3A_149 : vector<16xi32> to vector<16xi32>
      %swap3A_151 = vector.shape_cast %shift_right_logical3A_147 : vector<16xi32> to vector<16xi32>
      tpu.vector_store %arg9[%swap3A_148], %swap3A_151 {strides = array<i32>} : memref<128xi32, #tpu.memory_space<vmem>>, vector<16xi32>,
      %get3A_152 = arith.index_cast %while3A_29 : i32 to index
      %get3A_153 = arith.constant 112 : index
      %get3A_154 = tpu.vector_load %arg7[%get3A_152, %get3A_153] {strides = array<i32>} : memref<144x128xi32, #tpu.memory_space<vmem>>, vector<1x16xi32>,
      %get3A_155 = vector.shape_cast %get3A_154 : vector<1x16xi32> to vector<16xi32>
      %and3A_156 = arith.constant 65535 : i32
      %and3A_157 = vector.broadcast %and3A_156 : i32 to vector<16xi32>
      %and3A_158 = arith.andi %get3A_155, %and3A_157 : vector<16xi32>
      %swap3A_159 = arith.constant 112 : index
      %swap3A_160 = tpu.vector_load %arg8[%swap3A_159] {strides = array<i32>} : memref<128xi32, #tpu.memory_space<vmem>>, vector<16xi32>,
      %swap3A_161 = vector.shape_cast %swap3A_160 : vector<16xi32> to vector<16xi32>
      %swap3A_162 = vector.shape_cast %and3A_158 : vector<16xi32> to vector<16xi32>
      tpu.vector_store %arg8[%swap3A_159], %swap3A_162 {strides = array<i32>} : memref<128xi32, #tpu.memory_space<vmem>>, vector<16xi32>,
      %shift_right_logical3A_163 = arith.constant 16 : i32
      %shift_right_logical3A_164 = vector.broadcast %shift_right_logical3A_163 : i32 to vector<16xi32>
      %shift_right_logical3A_165 = arith.shrui %get3A_155, %shift_right_logical3A_164 : vector<16xi32>
      %swap3A_166 = arith.constant 112 : index
      %swap3A_167 = tpu.vector_load %arg9[%swap3A_166] {strides = array<i32>} : memref<128xi32, #tpu.memory_space<vmem>>, vector<16xi32>,
      %swap3A_168 = vector.shape_cast %swap3A_167 : vector<16xi32> to vector<16xi32>
      %swap3A_169 = vector.shape_cast %shift_right_logical3A_165 : vector<16xi32> to vector<16xi32>
      tpu.vector_store %arg9[%swap3A_166], %swap3A_169 {strides = array<i32>} : memref<128xi32, #tpu.memory_space<vmem>>, vector<16xi32>,
      %dma_start3A = arith.constant 0 : i32
      %dma_start3A_170 = arith.constant 0 : i32
      %dma_start3A_171 = tpu.memref_slice %arg2[%dma_start3A, %dma_start3A_170] : memref<10000x128xf32, #tpu.memory_space<hbm>> -> memref<10000x128xf32, #tpu.memory_space<hbm>>
      tpu.enqueue_indirect_dma source(%dma_start3A_171 : memref<10000x128xf32, #tpu.memory_space<hbm>>) target(%arg10 : memref<128x128xf32, #tpu.memory_space<vmem>>) offsets(%arg8 : memref<128xi32, #tpu.memory_space<vmem>>) semaphore(%arg12 : memref<!tpu.dma_semaphore, #tpu.memory_space<semaphore_mem>>)
      %dma_wait3A = arith.constant 0 : i32
      %dma_wait3A_172 = arith.constant 0 : i32
      %dma_wait3A_173 = tpu.memref_slice %arg2[%dma_wait3A, %dma_wait3A_172] : memref<10000x128xf32, #tpu.memory_space<hbm>> -> memref<10000x128xf32, #tpu.memory_space<hbm>>
      tpu.wait_indirect_dma semaphore(%arg12 : memref<!tpu.dma_semaphore, #tpu.memory_space<semaphore_mem>>) src(%dma_wait3A_173 : memref<10000x128xf32, #tpu.memory_space<hbm>>) dst(%arg10 : memref<128x128xf32, #tpu.memory_space<vmem>>)
      "tpu.region"() ({
        %run_scoped3A = tpu.sem_alloc : memref<!tpu.dma_semaphore, #tpu.memory_space<semaphore_mem>>
        %dma_start3A_174 = arith.constant 0 : i32
        %dma_start3A_175 = arith.constant 0 : i32
        %dma_start3A_176 = tpu.memref_slice %arg11[%dma_start3A_174, %dma_start3A_175] : memref<10112x128xf32, #tpu.memory_space<vmem_shared>> -> memref<10112x128xf32, #tpu.memory_space<vmem_shared>>
        tpu.enqueue_indirect_dma source(%arg10 : memref<128x128xf32, #tpu.memory_space<vmem>>) target(%dma_start3A_176 : memref<10112x128xf32, #tpu.memory_space<vmem_shared>>) offsets(%arg9 : memref<128xi32, #tpu.memory_space<vmem>>) semaphore(%run_scoped3A : memref<!tpu.dma_semaphore, #tpu.memory_space<semaphore_mem>>) {add = true}
        %dma_wait3A_177 = arith.constant 0 : i32
        %dma_wait3A_178 = arith.constant 0 : i32
        %dma_wait3A_179 = tpu.memref_slice %arg11[%dma_wait3A_177, %dma_wait3A_178] : memref<10112x128xf32, #tpu.memory_space<vmem_shared>> -> memref<10112x128xf32, #tpu.memory_space<vmem_shared>>
        tpu.wait_indirect_dma semaphore(%run_scoped3A : memref<!tpu.dma_semaphore, #tpu.memory_space<semaphore_mem>>) src(%arg10 : memref<128x128xf32, #tpu.memory_space<vmem>>) dst(%dma_wait3A_179 : memref<10112x128xf32, #tpu.memory_space<vmem_shared>>)
        tpu.yield
      }) : () -> ()
    }
    %while3A_19 = arith.constant 1 : i32
    scf.for %while3A_29 = %while3A_17 to %while3A_13 step %while3A_19  : i32 {
      %get3A = arith.index_cast %while3A_29 : i32 to index
      %get3A_30 = arith.constant 0 : index
      %get3A_31 = tpu.vector_load %arg7[%get3A, %get3A_30] {strides = array<i32>} : memref<144x128xi32, #tpu.memory_space<vmem>>, vector<1x16xi32>,
      %get3A_32 = vector.shape_cast %get3A_31 : vector<1x16xi32> to vector<16xi32>
      %and3A = arith.constant 65535 : i32
      %and3A_33 = vector.broadcast %and3A : i32 to vector<16xi32>
      %and3A_34 = arith.andi %get3A_32, %and3A_33 : vector<16xi32>
      %swap3A = arith.constant 0 : index
      %swap3A_35 = tpu.vector_load %arg8[%swap3A] {strides = array<i32>} : memref<128xi32, #tpu.memory_space<vmem>>, vector<16xi32>,
      %swap3A_36 = vector.shape_cast %swap3A_35 : vector<16xi32> to vector<16xi32>
      %swap3A_37 = vector.shape_cast %and3A_34 : vector<16xi32> to vector<16xi32>
      tpu.vector_store %arg8[%swap3A], %swap3A_37 {strides = array<i32>} : memref<128xi32, #tpu.memory_space<vmem>>, vector<16xi32>,
      %shift_right_logical3A = arith.constant 16 : i32
      %shift_right_logical3A_38 = vector.broadcast %shift_right_logical3A : i32 to vector<16xi32>
      %shift_right_logical3A_39 = arith.shrui %get3A_32, %shift_right_logical3A_38 : vector<16xi32>
      %swap3A_40 = arith.constant 0 : index
      %swap3A_41 = tpu.vector_load %arg9[%swap3A_40] {strides = array<i32>} : memref<128xi32, #tpu.memory_space<vmem>>, vector<16xi32>,
      %swap3A_42 = vector.shape_cast %swap3A_41 : vector<16xi32> to vector<16xi32>
      %swap3A_43 = vector.shape_cast %shift_right_logical3A_39 : vector<16xi32> to vector<16xi32>
      tpu.vector_store %arg9[%swap3A_40], %swap3A_43 {strides = array<i32>} : memref<128xi32, #tpu.memory_space<vmem>>, vector<16xi32>,
      %get3A_44 = arith.index_cast %while3A_29 : i32 to index
      %get3A_45 = arith.constant 16 : index
      %get3A_46 = tpu.vector_load %arg7[%get3A_44, %get3A_45] {strides = array<i32>} : memref<144x128xi32, #tpu.memory_space<vmem>>, vector<1x16xi32>,
      %get3A_47 = vector.shape_cast %get3A_46 : vector<1x16xi32> to vector<16xi32>
      %and3A_48 = arith.constant 65535 : i32
      %and3A_49 = vector.broadcast %and3A_48 : i32 to vector<16xi32>
      %and3A_50 = arith.andi %get3A_47, %and3A_49 : vector<16xi32>
      %swap3A_51 = arith.constant 16 : index
      %swap3A_52 = tpu.vector_load %arg8[%swap3A_51] {strides = array<i32>} : memref<128xi32, #tpu.memory_space<vmem>>, vector<16xi32>,
      %swap3A_53 = vector.shape_cast %swap3A_52 : vector<16xi32> to vector<16xi32>
      %swap3A_54 = vector.shape_cast %and3A_50 : vector<16xi32> to vector<16xi32>
      tpu.vector_store %arg8[%swap3A_51], %swap3A_54 {strides = array<i32>} : memref<128xi32, #tpu.memory_space<vmem>>, vector<16xi32>,
      %shift_right_logical3A_55 = arith.constant 16 : i32
      %shift_right_logical3A_56 = vector.broadcast %shift_right_logical3A_55 : i32 to vector<16xi32>
      %shift_right_logical3A_57 = arith.shrui %get3A_47, %shift_right_logical3A_56 : vector<16xi32>
      %swap3A_58 = arith.constant 16 : index
      %swap3A_59 = tpu.vector_load %arg9[%swap3A_58] {strides = array<i32>} : memref<128xi32, #tpu.memory_space<vmem>>, vector<16xi32>,
      %swap3A_60 = vector.shape_cast %swap3A_59 : vector<16xi32> to vector<16xi32>
      %swap3A_61 = vector.shape_cast %shift_right_logical3A_57 : vector<16xi32> to vector<16xi32>
      tpu.vector_store %arg9[%swap3A_58], %swap3A_61 {strides = array<i32>} : memref<128xi32, #tpu.memory_space<vmem>>, vector<16xi32>,
      %get3A_62 = arith.index_cast %while3A_29 : i32 to index
      %get3A_63 = arith.constant 32 : index
      %get3A_64 = tpu.vector_load %arg7[%get3A_62, %get3A_63] {strides = array<i32>} : memref<144x128xi32, #tpu.memory_space<vmem>>, vector<1x16xi32>,
      %get3A_65 = vector.shape_cast %get3A_64 : vector<1x16xi32> to vector<16xi32>
      %and3A_66 = arith.constant 65535 : i32
      %and3A_67 = vector.broadcast %and3A_66 : i32 to vector<16xi32>
      %and3A_68 = arith.andi %get3A_65, %and3A_67 : vector<16xi32>
      %swap3A_69 = arith.constant 32 : index
      %swap3A_70 = tpu.vector_load %arg8[%swap3A_69] {strides = array<i32>} : memref<128xi32, #tpu.memory_space<vmem>>, vector<16xi32>,
      %swap3A_71 = vector.shape_cast %swap3A_70 : vector<16xi32> to vector<16xi32>
      %swap3A_72 = vector.shape_cast %and3A_68 : vector<16xi32> to vector<16xi32>
      tpu.vector_store %arg8[%swap3A_69], %swap3A_72 {strides = array<i32>} : memref<128xi32, #tpu.memory_space<vmem>>, vector<16xi32>,
      %shift_right_logical3A_73 = arith.constant 16 : i32
      %shift_right_logical3A_74 = vector.broadcast %shift_right_logical3A_73 : i32 to vector<16xi32>
      %shift_right_logical3A_75 = arith.shrui %get3A_65, %shift_right_logical3A_74 : vector<16xi32>
      %swap3A_76 = arith.constant 32 : index
      %swap3A_77 = tpu.vector_load %arg9[%swap3A_76] {strides = array<i32>} : memref<128xi32, #tpu.memory_space<vmem>>, vector<16xi32>,
      %swap3A_78 = vector.shape_cast %swap3A_77 : vector<16xi32> to vector<16xi32>
      %swap3A_79 = vector.shape_cast %shift_right_logical3A_75 : vector<16xi32> to vector<16xi32>
      tpu.vector_store %arg9[%swap3A_76], %swap3A_79 {strides = array<i32>} : memref<128xi32, #tpu.memory_space<vmem>>, vector<16xi32>,
      %get3A_80 = arith.index_cast %while3A_29 : i32 to index
      %get3A_81 = arith.constant 48 : index
      %get3A_82 = tpu.vector_load %arg7[%get3A_80, %get3A_81] {strides = array<i32>} : memref<144x128xi32, #tpu.memory_space<vmem>>, vector<1x16xi32>,
      %get3A_83 = vector.shape_cast %get3A_82 : vector<1x16xi32> to vector<16xi32>
      %and3A_84 = arith.constant 65535 : i32
      %and3A_85 = vector.broadcast %and3A_84 : i32 to vector<16xi32>
      %and3A_86 = arith.andi %get3A_83, %and3A_85 : vector<16xi32>
      %swap3A_87 = arith.constant 48 : index
      %swap3A_88 = tpu.vector_load %arg8[%swap3A_87] {strides = array<i32>} : memref<128xi32, #tpu.memory_space<vmem>>, vector<16xi32>,
      %swap3A_89 = vector.shape_cast %swap3A_88 : vector<16xi32> to vector<16xi32>
      %swap3A_90 = vector.shape_cast %and3A_86 : vector<16xi32> to vector<16xi32>
      tpu.vector_store %arg8[%swap3A_87], %swap3A_90 {strides = array<i32>} : memref<128xi32, #tpu.memory_space<vmem>>, vector<16xi32>,
      %shift_right_logical3A_91 = arith.constant 16 : i32
      %shift_right_logical3A_92 = vector.broadcast %shift_right_logical3A_91 : i32 to vector<16xi32>
      %shift_right_logical3A_93 = arith.shrui %get3A_83, %shift_right_logical3A_92 : vector<16xi32>
      %swap3A_94 = arith.constant 48 : index
      %swap3A_95 = tpu.vector_load %arg9[%swap3A_94] {strides = array<i32>} : memref<128xi32, #tpu.memory_space<vmem>>, vector<16xi32>,
      %swap3A_96 = vector.shape_cast %swap3A_95 : vector<16xi32> to vector<16xi32>
      %swap3A_97 = vector.shape_cast %shift_right_logical3A_93 : vector<16xi32> to vector<16xi32>
      tpu.vector_store %arg9[%swap3A_94], %swap3A_97 {strides = array<i32>} : memref<128xi32, #tpu.memory_space<vmem>>, vector<16xi32>,
      %get3A_98 = arith.index_cast %while3A_29 : i32 to index
      %get3A_99 = arith.constant 64 : index
      %get3A_100 = tpu.vector_load %arg7[%get3A_98, %get3A_99] {strides = array<i32>} : memref<144x128xi32, #tpu.memory_space<vmem>>, vector<1x16xi32>,
      %get3A_101 = vector.shape_cast %get3A_100 : vector<1x16xi32> to vector<16xi32>
      %and3A_102 = arith.constant 65535 : i32
      %and3A_103 = vector.broadcast %and3A_102 : i32 to vector<16xi32>
      %and3A_104 = arith.andi %get3A_101, %and3A_103 : vector<16xi32>
      %swap3A_105 = arith.constant 64 : index
      %swap3A_106 = tpu.vector_load %arg8[%swap3A_105] {strides = array<i32>} : memref<128xi32, #tpu.memory_space<vmem>>, vector<16xi32>,
      %swap3A_107 = vector.shape_cast %swap3A_106 : vector<16xi32> to vector<16xi32>
      %swap3A_108 = vector.shape_cast %and3A_104 : vector<16xi32> to vector<16xi32>
      tpu.vector_store %arg8[%swap3A_105], %swap3A_108 {strides = array<i32>} : memref<128xi32, #tpu.memory_space<vmem>>, vector<16xi32>,
      %shift_right_logical3A_109 = arith.constant 16 : i32
      %shift_right_logical3A_110 = vector.broadcast %shift_right_logical3A_109 : i32 to vector<16xi32>
      %shift_right_logical3A_111 = arith.shrui %get3A_101, %shift_right_logical3A_110 : vector<16xi32>
      %swap3A_112 = arith.constant 64 : index
      %swap3A_113 = tpu.vector_load %arg9[%swap3A_112] {strides = array<i32>} : memref<128xi32, #tpu.memory_space<vmem>>, vector<16xi32>,
      %swap3A_114 = vector.shape_cast %swap3A_113 : vector<16xi32> to vector<16xi32>
      %swap3A_115 = vector.shape_cast %shift_right_logical3A_111 : vector<16xi32> to vector<16xi32>
      tpu.vector_store %arg9[%swap3A_112], %swap3A_115 {strides = array<i32>} : memref<128xi32, #tpu.memory_space<vmem>>, vector<16xi32>,
      %get3A_116 = arith.index_cast %while3A_29 : i32 to index
      %get3A_117 = arith.constant 80 : index
      %get3A_118 = tpu.vector_load %arg7[%get3A_116, %get3A_117] {strides = array<i32>} : memref<144x128xi32, #tpu.memory_space<vmem>>, vector<1x16xi32>,
      %get3A_119 = vector.shape_cast %get3A_118 : vector<1x16xi32> to vector<16xi32>
      %and3A_120 = arith.constant 65535 : i32
      %and3A_121 = vector.broadcast %and3A_120 : i32 to vector<16xi32>
      %and3A_122 = arith.andi %get3A_119, %and3A_121 : vector<16xi32>
      %swap3A_123 = arith.constant 80 : index
      %swap3A_124 = tpu.vector_load %arg8[%swap3A_123] {strides = array<i32>} : memref<128xi32, #tpu.memory_space<vmem>>, vector<16xi32>,
      %swap3A_125 = vector.shape_cast %swap3A_124 : vector<16xi32> to vector<16xi32>
      %swap3A_126 = vector.shape_cast %and3A_122 : vector<16xi32> to vector<16xi32>
      tpu.vector_store %arg8[%swap3A_123], %swap3A_126 {strides = array<i32>} : memref<128xi32, #tpu.memory_space<vmem>>, vector<16xi32>,
      %shift_right_logical3A_127 = arith.constant 16 : i32
      %shift_right_logical3A_128 = vector.broadcast %shift_right_logical3A_127 : i32 to vector<16xi32>
      %shift_right_logical3A_129 = arith.shrui %get3A_119, %shift_right_logical3A_128 : vector<16xi32>
      %swap3A_130 = arith.constant 80 : index
      %swap3A_131 = tpu.vector_load %arg9[%swap3A_130] {strides = array<i32>} : memref<128xi32, #tpu.memory_space<vmem>>, vector<16xi32>,
      %swap3A_132 = vector.shape_cast %swap3A_131 : vector<16xi32> to vector<16xi32>
      %swap3A_133 = vector.shape_cast %shift_right_logical3A_129 : vector<16xi32> to vector<16xi32>
      tpu.vector_store %arg9[%swap3A_130], %swap3A_133 {strides = array<i32>} : memref<128xi32, #tpu.memory_space<vmem>>, vector<16xi32>,
      %get3A_134 = arith.index_cast %while3A_29 : i32 to index
      %get3A_135 = arith.constant 96 : index
      %get3A_136 = tpu.vector_load %arg7[%get3A_134, %get3A_135] {strides = array<i32>} : memref<144x128xi32, #tpu.memory_space<vmem>>, vector<1x16xi32>,
      %get3A_137 = vector.shape_cast %get3A_136 : vector<1x16xi32> to vector<16xi32>
      %and3A_138 = arith.constant 65535 : i32
      %and3A_139 = vector.broadcast %and3A_138 : i32 to vector<16xi32>
      %and3A_140 = arith.andi %get3A_137, %and3A_139 : vector<16xi32>
      %swap3A_141 = arith.constant 96 : index
      %swap3A_142 = tpu.vector_load %arg8[%swap3A_141] {strides = array<i32>} : memref<128xi32, #tpu.memory_space<vmem>>, vector<16xi32>,
      %swap3A_143 = vector.shape_cast %swap3A_142 : vector<16xi32> to vector<16xi32>
      %swap3A_144 = vector.shape_cast %and3A_140 : vector<16xi32> to vector<16xi32>
      tpu.vector_store %arg8[%swap3A_141], %swap3A_144 {strides = array<i32>} : memref<128xi32, #tpu.memory_space<vmem>>, vector<16xi32>,
      %shift_right_logical3A_145 = arith.constant 16 : i32
      %shift_right_logical3A_146 = vector.broadcast %shift_right_logical3A_145 : i32 to vector<16xi32>
      %shift_right_logical3A_147 = arith.shrui %get3A_137, %shift_right_logical3A_146 : vector<16xi32>
      %swap3A_148 = arith.constant 96 : index
      %swap3A_149 = tpu.vector_load %arg9[%swap3A_148] {strides = array<i32>} : memref<128xi32, #tpu.memory_space<vmem>>, vector<16xi32>,
      %swap3A_150 = vector.shape_cast %swap3A_149 : vector<16xi32> to vector<16xi32>
      %swap3A_151 = vector.shape_cast %shift_right_logical3A_147 : vector<16xi32> to vector<16xi32>
      tpu.vector_store %arg9[%swap3A_148], %swap3A_151 {strides = array<i32>} : memref<128xi32, #tpu.memory_space<vmem>>, vector<16xi32>,
      %get3A_152 = arith.index_cast %while3A_29 : i32 to index
      %get3A_153 = arith.constant 112 : index
      %get3A_154 = tpu.vector_load %arg7[%get3A_152, %get3A_153] {strides = array<i32>} : memref<144x128xi32, #tpu.memory_space<vmem>>, vector<1x16xi32>,
      %get3A_155 = vector.shape_cast %get3A_154 : vector<1x16xi32> to vector<16xi32>
      %and3A_156 = arith.constant 65535 : i32
      %and3A_157 = vector.broadcast %and3A_156 : i32 to vector<16xi32>
      %and3A_158 = arith.andi %get3A_155, %and3A_157 : vector<16xi32>
      %swap3A_159 = arith.constant 112 : index
      %swap3A_160 = tpu.vector_load %arg8[%swap3A_159] {strides = array<i32>} : memref<128xi32, #tpu.memory_space<vmem>>, vector<16xi32>,
      %swap3A_161 = vector.shape_cast %swap3A_160 : vector<16xi32> to vector<16xi32>
      %swap3A_162 = vector.shape_cast %and3A_158 : vector<16xi32> to vector<16xi32>
      tpu.vector_store %arg8[%swap3A_159], %swap3A_162 {strides = array<i32>} : memref<128xi32, #tpu.memory_space<vmem>>, vector<16xi32>,
      %shift_right_logical3A_163 = arith.constant 16 : i32
      %shift_right_logical3A_164 = vector.broadcast %shift_right_logical3A_163 : i32 to vector<16xi32>
      %shift_right_logical3A_165 = arith.shrui %get3A_155, %shift_right_logical3A_164 : vector<16xi32>
      %swap3A_166 = arith.constant 112 : index
      %swap3A_167 = tpu.vector_load %arg9[%swap3A_166] {strides = array<i32>} : memref<128xi32, #tpu.memory_space<vmem>>, vector<16xi32>,
      %swap3A_168 = vector.shape_cast %swap3A_167 : vector<16xi32> to vector<16xi32>
      %swap3A_169 = vector.shape_cast %shift_right_logical3A_165 : vector<16xi32> to vector<16xi32>
      tpu.vector_store %arg9[%swap3A_166], %swap3A_169 {strides = array<i32>} : memref<128xi32, #tpu.memory_space<vmem>>, vector<16xi32>,
      %dma_start3A = arith.constant 0 : i32
      %dma_start3A_170 = arith.constant 0 : i32
      %dma_start3A_171 = tpu.memref_slice %arg2[%dma_start3A, %dma_start3A_170] : memref<10000x128xf32, #tpu.memory_space<hbm>> -> memref<10000x128xf32, #tpu.memory_space<hbm>>
      tpu.enqueue_indirect_dma source(%dma_start3A_171 : memref<10000x128xf32, #tpu.memory_space<hbm>>) target(%arg10 : memref<128x128xf32, #tpu.memory_space<vmem>>) offsets(%arg8 : memref<128xi32, #tpu.memory_space<vmem>>) semaphore(%arg12 : memref<!tpu.dma_semaphore, #tpu.memory_space<semaphore_mem>>)
      %dma_wait3A = arith.constant 0 : i32
      %dma_wait3A_172 = arith.constant 0 : i32
      %dma_wait3A_173 = tpu.memref_slice %arg2[%dma_wait3A, %dma_wait3A_172] : memref<10000x128xf32, #tpu.memory_space<hbm>> -> memref<10000x128xf32, #tpu.memory_space<hbm>>
      tpu.wait_indirect_dma semaphore(%arg12 : memref<!tpu.dma_semaphore, #tpu.memory_space<semaphore_mem>>) src(%dma_wait3A_173 : memref<10000x128xf32, #tpu.memory_space<hbm>>) dst(%arg10 : memref<128x128xf32, #tpu.memory_space<vmem>>)
      "tpu.region"() ({
        %run_scoped3A = tpu.sem_alloc : memref<!tpu.dma_semaphore, #tpu.memory_space<semaphore_mem>>
        %dma_start3A_174 = arith.constant 0 : i32
        %dma_start3A_175 = arith.constant 0 : i32
        %dma_start3A_176 = tpu.memref_slice %arg11[%dma_start3A_174, %dma_start3A_175] : memref<10112x128xf32, #tpu.memory_space<vmem_shared>> -> memref<10112x128xf32, #tpu.memory_space<vmem_shared>>
        tpu.enqueue_indirect_dma source(%arg10 : memref<128x128xf32, #tpu.memory_space<vmem>>) target(%dma_start3A_176 : memref<10112x128xf32, #tpu.memory_space<vmem_shared>>) offsets(%arg9 : memref<128xi32, #tpu.memory_space<vmem>>) semaphore(%run_scoped3A : memref<!tpu.dma_semaphore, #tpu.memory_space<semaphore_mem>>) {add = true}
        %dma_wait3A_177 = arith.constant 0 : i32
        %dma_wait3A_178 = arith.constant 0 : i32
        %dma_wait3A_179 = tpu.memref_slice %arg11[%dma_wait3A_177, %dma_wait3A_178] : memref<10112x128xf32, #tpu.memory_space<vmem_shared>> -> memref<10112x128xf32, #tpu.memory_space<vmem_shared>>
        tpu.wait_indirect_dma semaphore(%run_scoped3A : memref<!tpu.dma_semaphore, #tpu.memory_space<semaphore_mem>>) src(%arg10 : memref<128x128xf32, #tpu.memory_space<vmem>>) dst(%dma_wait3A_179 : memref<10112x128xf32, #tpu.memory_space<vmem_shared>>)
        tpu.yield
      }) : () -> ()
    }
    %barrier3A_20 = arith.constant 0 : index
    tpu.barrier barrier_id(%barrier3A_20)
    %eq3A_21 = arith.constant 0 : i32
    %eq3A_22 = arith.cmpi eq, %arg0, %eq3A_21 : i32
    %convert_element_type3A = arith.extui %eq3A_22 : i1 to i32
    %cond3A = arith.constant 0 : i32
    %cond3A_23 = arith.cmpi ne, %convert_element_type3A, %cond3A : i32
    scf.if %cond3A_23 {
      "tpu.region"() ({
        %run_scoped3A = tpu.sem_alloc : memref<!tpu.dma_semaphore, #tpu.memory_space<semaphore_mem>>
        %dma_start3A = arith.constant 0 : i32
        %dma_start3A_29 = tpu.memref_slice %arg5[%mul3A_10, %dma_start3A] : memref<10112x128xf32, #tpu.memory_space<hbm>> -> memref<632x128xf32, #tpu.memory_space<hbm>>
        %dma_start3A_30 = arith.constant 0 : i32
        %dma_start3A_31 = tpu.memref_slice %arg11[%mul3A_10, %dma_start3A_30] : memref<10112x128xf32, #tpu.memory_space<vmem_shared>> -> memref<632x128xf32, #tpu.memory_space<vmem_shared>>
        tpu.enqueue_dma source(%dma_start3A_31 : memref<632x128xf32, #tpu.memory_space<vmem_shared>>) target(%dma_start3A_29 : memref<632x128xf32, #tpu.memory_space<hbm>>) target_semaphore(%run_scoped3A : memref<!tpu.dma_semaphore, #tpu.memory_space<semaphore_mem>>)
        %dma_wait3A = arith.constant 0 : i32
        %dma_wait3A_32 = tpu.memref_slice %arg5[%mul3A_10, %dma_wait3A] : memref<10112x128xf32, #tpu.memory_space<hbm>> -> memref<632x128xf32, #tpu.memory_space<hbm>>
        %dma_wait3A_33 = arith.constant 0 : i32
        %dma_wait3A_34 = tpu.memref_slice %arg11[%mul3A_10, %dma_wait3A_33] : memref<10112x128xf32, #tpu.memory_space<vmem_shared>> -> memref<632x128xf32, #tpu.memory_space<vmem_shared>>
        tpu.wait_dma2 semaphore(%run_scoped3A : memref<!tpu.dma_semaphore, #tpu.memory_space<semaphore_mem>>) src(%dma_wait3A_34 : memref<632x128xf32, #tpu.memory_space<vmem_shared>>) dst(%dma_wait3A_32 : memref<632x128xf32, #tpu.memory_space<hbm>>)
        tpu.yield
      }) : () -> ()
    } else {
    }
    %eq3A_24 = arith.constant 1 : i32
    %eq3A_25 = arith.cmpi eq, %arg0, %eq3A_24 : i32
    %convert_element_type3A_26 = arith.extui %eq3A_25 : i1 to i32
    %cond3A_27 = arith.constant 0 : i32
    %cond3A_28 = arith.cmpi ne, %convert_element_type3A_26, %cond3A_27 : i32
    scf.if %cond3A_28 {
      "tpu.region"() ({
        %run_scoped3A = tpu.sem_alloc : memref<!tpu.dma_semaphore, #tpu.memory_space<semaphore_mem>>
        %dma_start3A = arith.constant 0 : i32
        %dma_start3A_29 = tpu.memref_slice %arg6[%mul3A_10, %dma_start3A] : memref<10112x128xf32, #tpu.memory_space<hbm>> -> memref<632x128xf32, #tpu.memory_space<hbm>>
        %dma_start3A_30 = arith.constant 0 : i32
        %dma_start3A_31 = tpu.memref_slice %arg11[%mul3A_10, %dma_start3A_30] : memref<10112x128xf32, #tpu.memory_space<vmem_shared>> -> memref<632x128xf32, #tpu.memory_space<vmem_shared>>
        tpu.enqueue_dma source(%dma_start3A_31 : memref<632x128xf32, #tpu.memory_space<vmem_shared>>) target(%dma_start3A_29 : memref<632x128xf32, #tpu.memory_space<hbm>>) target_semaphore(%run_scoped3A : memref<!tpu.dma_semaphore, #tpu.memory_space<semaphore_mem>>)
        %dma_wait3A = arith.constant 0 : i32
        %dma_wait3A_32 = tpu.memref_slice %arg6[%mul3A_10, %dma_wait3A] : memref<10112x128xf32, #tpu.memory_space<hbm>> -> memref<632x128xf32, #tpu.memory_space<hbm>>
        %dma_wait3A_33 = arith.constant 0 : i32
        %dma_wait3A_34 = tpu.memref_slice %arg11[%mul3A_10, %dma_wait3A_33] : memref<10112x128xf32, #tpu.memory_space<vmem_shared>> -> memref<632x128xf32, #tpu.memory_space<vmem_shared>>
        tpu.wait_dma2 semaphore(%run_scoped3A : memref<!tpu.dma_semaphore, #tpu.memory_space<semaphore_mem>>) src(%dma_wait3A_34 : memref<632x128xf32, #tpu.memory_space<vmem_shared>>) dst(%dma_wait3A_32 : memref<632x128xf32, #tpu.memory_space<hbm>>)
        tpu.yield
      }) : () -> ()
    } else {
    }
    return
  }
}

#map = affine_map<(d0, d1) -> (0, 0)>
module attributes {stable_mosaic.version = 14 : i64} {
  func.func @sc_kernel(%arg0: i32, %arg1: i32, %arg2: memref<10000x128xf32, #tpu.memory_space<hbm>>, %arg3: memref<2560x128xi32, #tpu.memory_space<hbm>>, %arg4: memref<10112x128xf32, #tpu.memory_space<hbm>>, %arg5: memref<10112x128xf32, #tpu.memory_space<hbm>>, %arg6: memref<10112x128xf32, #tpu.memory_space<hbm>>, %arg7: memref<144x128xi32, #tpu.memory_space<vmem>>, %arg8: memref<128xi32, #tpu.memory_space<vmem>>, %arg9: memref<128xi32, #tpu.memory_space<vmem>>, %arg10: memref<128x128xf32, #tpu.memory_space<vmem>>, %arg11: memref<10112x128xf32, #tpu.memory_space<vmem_shared>>, %arg12: memref<!tpu.dma_semaphore, #tpu.memory_space<semaphore_mem>>) attributes {dimension_semantics = [#tpu.dimension_semantics<core_parallel>, #tpu.dimension_semantics<subcore_parallel>], iteration_bounds = array<i64: 2, 16>, scalar_prefetch = 0 : i64, scratch_operands = 6 : i64, tpu.core_type = #tpu.core_type<sc_vector_subcore>, window_params = [{transform_indices = #map}, {transform_indices = #map}, {transform_indices = #map}, {transform_indices = #map}, {transform_indices = #map}]} {
    %eq3A = arith.constant 0 : i32
    %eq3A_0 = arith.cmpi eq, %arg0, %eq3A : i32
    %mul3A = arith.constant 144 : i32
    %mul3A_1 = arith.muli %arg1, %mul3A : i32
    %mul3A_2 = arith.constant 16 : i32
    %mul3A_3 = arith.muli %arg1, %mul3A_2 : i32
    %add3A = arith.constant 2304 : i32
    %add3A_4 = arith.addi %add3A, %mul3A_3 : i32
    %select_n3A = arith.select %eq3A_0, %mul3A_1, %add3A_4 : i32
    %multiple_of3A = tpu.assume_multiple %select_n3A, 8 : i32
    %eq3A_5 = arith.constant 0 : i32
    %eq3A_6 = arith.cmpi eq, %arg0, %eq3A_5 : i32
    %jit3A = arith.constant 144 : i32
    %jit3A_7 = arith.constant 16 : i32
    %select_n3A_8 = arith.select %eq3A_6, %jit3A, %jit3A_7 : i32
    "tpu.region"() ({
      %run_scoped3A = tpu.sem_alloc : memref<!tpu.dma_semaphore, #tpu.memory_space<semaphore_mem>>
      %dma_start3A = arith.constant 0 : i32
      %dma_start3A_29 = tpu.memref_slice %arg3[%multiple_of3A, %dma_start3A] : memref<2560x128xi32, #tpu.memory_space<hbm>> -> memref<144x128xi32, #tpu.memory_space<hbm>>
      %dma_start3A_30 = arith.constant 0 : i32
      %dma_start3A_31 = tpu.memref_slice %arg3[%multiple_of3A, %dma_start3A_30] : memref<2560x128xi32, #tpu.memory_space<hbm>> -> memref<144x128xi32, #tpu.memory_space<hbm>>
      tpu.enqueue_dma source(%dma_start3A_31 : memref<144x128xi32, #tpu.memory_space<hbm>>) target(%arg7 : memref<144x128xi32, #tpu.memory_space<vmem>>) target_semaphore(%run_scoped3A : memref<!tpu.dma_semaphore, #tpu.memory_space<semaphore_mem>>)
      %dma_wait3A = arith.constant 0 : i32
      %dma_wait3A_32 = tpu.memref_slice %arg3[%multiple_of3A, %dma_wait3A] : memref<2560x128xi32, #tpu.memory_space<hbm>> -> memref<144x128xi32, #tpu.memory_space<hbm>>
      %dma_wait3A_33 = arith.constant 0 : i32
      %dma_wait3A_34 = tpu.memref_slice %arg3[%multiple_of3A, %dma_wait3A_33] : memref<2560x128xi32, #tpu.memory_space<hbm>> -> memref<144x128xi32, #tpu.memory_space<hbm>>
      tpu.wait_dma2 semaphore(%run_scoped3A : memref<!tpu.dma_semaphore, #tpu.memory_space<semaphore_mem>>) src(%dma_wait3A_34 : memref<144x128xi32, #tpu.memory_space<hbm>>) dst(%arg7 : memref<144x128xi32, #tpu.memory_space<vmem>>)
      tpu.yield
    }) : () -> ()
    %mul3A_9 = arith.constant 632 : i32
    %mul3A_10 = arith.muli %arg1, %mul3A_9 : i32
    "tpu.region"() ({
      %run_scoped3A = tpu.sem_alloc : memref<!tpu.dma_semaphore, #tpu.memory_space<semaphore_mem>>
      %dma_start3A = arith.constant 0 : i32
      %dma_start3A_29 = tpu.memref_slice %arg11[%mul3A_10, %dma_start3A] : memref<10112x128xf32, #tpu.memory_space<vmem_shared>> -> memref<632x128xf32, #tpu.memory_space<vmem_shared>>
      %dma_start3A_30 = arith.constant 0 : i32
      %dma_start3A_31 = tpu.memref_slice %arg4[%mul3A_10, %dma_start3A_30] : memref<10112x128xf32, #tpu.memory_space<hbm>> -> memref<632x128xf32, #tpu.memory_space<hbm>>
      tpu.enqueue_dma source(%dma_start3A_31 : memref<632x128xf32, #tpu.memory_space<hbm>>) target(%dma_start3A_29 : memref<632x128xf32, #tpu.memory_space<vmem_shared>>) target_semaphore(%run_scoped3A : memref<!tpu.dma_semaphore, #tpu.memory_space<semaphore_mem>>)
      %dma_wait3A = arith.constant 0 : i32
      %dma_wait3A_32 = tpu.memref_slice %arg11[%mul3A_10, %dma_wait3A] : memref<10112x128xf32, #tpu.memory_space<vmem_shared>> -> memref<632x128xf32, #tpu.memory_space<vmem_shared>>
      %dma_wait3A_33 = arith.constant 0 : i32
      %dma_wait3A_34 = tpu.memref_slice %arg4[%mul3A_10, %dma_wait3A_33] : memref<10112x128xf32, #tpu.memory_space<hbm>> -> memref<632x128xf32, #tpu.memory_space<hbm>>
      tpu.wait_dma2 semaphore(%run_scoped3A : memref<!tpu.dma_semaphore, #tpu.memory_space<semaphore_mem>>) src(%dma_wait3A_34 : memref<632x128xf32, #tpu.memory_space<hbm>>) dst(%dma_wait3A_32 : memref<632x128xf32, #tpu.memory_space<vmem_shared>>)
      tpu.yield
    }) : () -> ()
    %barrier3A = arith.constant 0 : index
    tpu.barrier barrier_id(%barrier3A)
    %while3A = arith.constant 0 : i32
    %while3A_11 = arith.constant 0 : i32
    %while3A_12 = arith.subi %select_n3A_8, %while3A_11 : i32
    %while3A_13 = arith.addi %while3A_11, %while3A_12 : i32
    %while3A_14 = arith.constant 1 : i32
    %while3A_15 = arith.divsi %while3A_12, %while3A_14 : i32
    %while3A_16 = arith.muli %while3A_15, %while3A_14 : i32
    %while3A_17 = arith.addi %while3A_11, %while3A_16 : i32
    %while3A_18 = arith.constant 1 : i32
    scf.for %while3A_29 = %while3A_11 to %while3A_17 step %while3A_18  : i32 {
      %get3A = arith.index_cast %while3A_29 : i32 to index
      %get3A_30 = arith.constant 0 : index
      %get3A_31 = tpu.vector_load %arg7[%get3A, %get3A_30] {strides = array<i32>} : memref<144x128xi32, #tpu.memory_space<vmem>>, vector<1x16xi32>,
      %get3A_32 = vector.shape_cast %get3A_31 : vector<1x16xi32> to vector<16xi32>
      %and3A = arith.constant 65535 : i32
      %and3A_33 = vector.broadcast %and3A : i32 to vector<16xi32>
      %and3A_34 = arith.andi %get3A_32, %and3A_33 : vector<16xi32>
      %swap3A = arith.constant 0 : index
      %swap3A_35 = tpu.vector_load %arg8[%swap3A] {strides = array<i32>} : memref<128xi32, #tpu.memory_space<vmem>>, vector<16xi32>,
      %swap3A_36 = vector.shape_cast %swap3A_35 : vector<16xi32> to vector<16xi32>
      %swap3A_37 = vector.shape_cast %and3A_34 : vector<16xi32> to vector<16xi32>
      tpu.vector_store %arg8[%swap3A], %swap3A_37 {strides = array<i32>} : memref<128xi32, #tpu.memory_space<vmem>>, vector<16xi32>,
      %shift_right_logical3A = arith.constant 16 : i32
      %shift_right_logical3A_38 = vector.broadcast %shift_right_logical3A : i32 to vector<16xi32>
      %shift_right_logical3A_39 = arith.shrui %get3A_32, %shift_right_logical3A_38 : vector<16xi32>
      %swap3A_40 = arith.constant 0 : index
      %swap3A_41 = tpu.vector_load %arg9[%swap3A_40] {strides = array<i32>} : memref<128xi32, #tpu.memory_space<vmem>>, vector<16xi32>,
      %swap3A_42 = vector.shape_cast %swap3A_41 : vector<16xi32> to vector<16xi32>
      %swap3A_43 = vector.shape_cast %shift_right_logical3A_39 : vector<16xi32> to vector<16xi32>
      tpu.vector_store %arg9[%swap3A_40], %swap3A_43 {strides = array<i32>} : memref<128xi32, #tpu.memory_space<vmem>>, vector<16xi32>,
      %get3A_44 = arith.index_cast %while3A_29 : i32 to index
      %get3A_45 = arith.constant 16 : index
      %get3A_46 = tpu.vector_load %arg7[%get3A_44, %get3A_45] {strides = array<i32>} : memref<144x128xi32, #tpu.memory_space<vmem>>, vector<1x16xi32>,
      %get3A_47 = vector.shape_cast %get3A_46 : vector<1x16xi32> to vector<16xi32>
      %and3A_48 = arith.constant 65535 : i32
      %and3A_49 = vector.broadcast %and3A_48 : i32 to vector<16xi32>
      %and3A_50 = arith.andi %get3A_47, %and3A_49 : vector<16xi32>
      %swap3A_51 = arith.constant 16 : index
      %swap3A_52 = tpu.vector_load %arg8[%swap3A_51] {strides = array<i32>} : memref<128xi32, #tpu.memory_space<vmem>>, vector<16xi32>,
      %swap3A_53 = vector.shape_cast %swap3A_52 : vector<16xi32> to vector<16xi32>
      %swap3A_54 = vector.shape_cast %and3A_50 : vector<16xi32> to vector<16xi32>
      tpu.vector_store %arg8[%swap3A_51], %swap3A_54 {strides = array<i32>} : memref<128xi32, #tpu.memory_space<vmem>>, vector<16xi32>,
      %shift_right_logical3A_55 = arith.constant 16 : i32
      %shift_right_logical3A_56 = vector.broadcast %shift_right_logical3A_55 : i32 to vector<16xi32>
      %shift_right_logical3A_57 = arith.shrui %get3A_47, %shift_right_logical3A_56 : vector<16xi32>
      %swap3A_58 = arith.constant 16 : index
      %swap3A_59 = tpu.vector_load %arg9[%swap3A_58] {strides = array<i32>} : memref<128xi32, #tpu.memory_space<vmem>>, vector<16xi32>,
      %swap3A_60 = vector.shape_cast %swap3A_59 : vector<16xi32> to vector<16xi32>
      %swap3A_61 = vector.shape_cast %shift_right_logical3A_57 : vector<16xi32> to vector<16xi32>
      tpu.vector_store %arg9[%swap3A_58], %swap3A_61 {strides = array<i32>} : memref<128xi32, #tpu.memory_space<vmem>>, vector<16xi32>,
      %get3A_62 = arith.index_cast %while3A_29 : i32 to index
      %get3A_63 = arith.constant 32 : index
      %get3A_64 = tpu.vector_load %arg7[%get3A_62, %get3A_63] {strides = array<i32>} : memref<144x128xi32, #tpu.memory_space<vmem>>, vector<1x16xi32>,
      %get3A_65 = vector.shape_cast %get3A_64 : vector<1x16xi32> to vector<16xi32>
      %and3A_66 = arith.constant 65535 : i32
      %and3A_67 = vector.broadcast %and3A_66 : i32 to vector<16xi32>
      %and3A_68 = arith.andi %get3A_65, %and3A_67 : vector<16xi32>
      %swap3A_69 = arith.constant 32 : index
      %swap3A_70 = tpu.vector_load %arg8[%swap3A_69] {strides = array<i32>} : memref<128xi32, #tpu.memory_space<vmem>>, vector<16xi32>,
      %swap3A_71 = vector.shape_cast %swap3A_70 : vector<16xi32> to vector<16xi32>
      %swap3A_72 = vector.shape_cast %and3A_68 : vector<16xi32> to vector<16xi32>
      tpu.vector_store %arg8[%swap3A_69], %swap3A_72 {strides = array<i32>} : memref<128xi32, #tpu.memory_space<vmem>>, vector<16xi32>,
      %shift_right_logical3A_73 = arith.constant 16 : i32
      %shift_right_logical3A_74 = vector.broadcast %shift_right_logical3A_73 : i32 to vector<16xi32>
      %shift_right_logical3A_75 = arith.shrui %get3A_65, %shift_right_logical3A_74 : vector<16xi32>
      %swap3A_76 = arith.constant 32 : index
      %swap3A_77 = tpu.vector_load %arg9[%swap3A_76] {strides = array<i32>} : memref<128xi32, #tpu.memory_space<vmem>>, vector<16xi32>,
      %swap3A_78 = vector.shape_cast %swap3A_77 : vector<16xi32> to vector<16xi32>
      %swap3A_79 = vector.shape_cast %shift_right_logical3A_75 : vector<16xi32> to vector<16xi32>
      tpu.vector_store %arg9[%swap3A_76], %swap3A_79 {strides = array<i32>} : memref<128xi32, #tpu.memory_space<vmem>>, vector<16xi32>,
      %get3A_80 = arith.index_cast %while3A_29 : i32 to index
      %get3A_81 = arith.constant 48 : index
      %get3A_82 = tpu.vector_load %arg7[%get3A_80, %get3A_81] {strides = array<i32>} : memref<144x128xi32, #tpu.memory_space<vmem>>, vector<1x16xi32>,
      %get3A_83 = vector.shape_cast %get3A_82 : vector<1x16xi32> to vector<16xi32>
      %and3A_84 = arith.constant 65535 : i32
      %and3A_85 = vector.broadcast %and3A_84 : i32 to vector<16xi32>
      %and3A_86 = arith.andi %get3A_83, %and3A_85 : vector<16xi32>
      %swap3A_87 = arith.constant 48 : index
      %swap3A_88 = tpu.vector_load %arg8[%swap3A_87] {strides = array<i32>} : memref<128xi32, #tpu.memory_space<vmem>>, vector<16xi32>,
      %swap3A_89 = vector.shape_cast %swap3A_88 : vector<16xi32> to vector<16xi32>
      %swap3A_90 = vector.shape_cast %and3A_86 : vector<16xi32> to vector<16xi32>
      tpu.vector_store %arg8[%swap3A_87], %swap3A_90 {strides = array<i32>} : memref<128xi32, #tpu.memory_space<vmem>>, vector<16xi32>,
      %shift_right_logical3A_91 = arith.constant 16 : i32
      %shift_right_logical3A_92 = vector.broadcast %shift_right_logical3A_91 : i32 to vector<16xi32>
      %shift_right_logical3A_93 = arith.shrui %get3A_83, %shift_right_logical3A_92 : vector<16xi32>
      %swap3A_94 = arith.constant 48 : index
      %swap3A_95 = tpu.vector_load %arg9[%swap3A_94] {strides = array<i32>} : memref<128xi32, #tpu.memory_space<vmem>>, vector<16xi32>,
      %swap3A_96 = vector.shape_cast %swap3A_95 : vector<16xi32> to vector<16xi32>
      %swap3A_97 = vector.shape_cast %shift_right_logical3A_93 : vector<16xi32> to vector<16xi32>
      tpu.vector_store %arg9[%swap3A_94], %swap3A_97 {strides = array<i32>} : memref<128xi32, #tpu.memory_space<vmem>>, vector<16xi32>,
      %get3A_98 = arith.index_cast %while3A_29 : i32 to index
      %get3A_99 = arith.constant 64 : index
      %get3A_100 = tpu.vector_load %arg7[%get3A_98, %get3A_99] {strides = array<i32>} : memref<144x128xi32, #tpu.memory_space<vmem>>, vector<1x16xi32>,
      %get3A_101 = vector.shape_cast %get3A_100 : vector<1x16xi32> to vector<16xi32>
      %and3A_102 = arith.constant 65535 : i32
      %and3A_103 = vector.broadcast %and3A_102 : i32 to vector<16xi32>
      %and3A_104 = arith.andi %get3A_101, %and3A_103 : vector<16xi32>
      %swap3A_105 = arith.constant 64 : index
      %swap3A_106 = tpu.vector_load %arg8[%swap3A_105] {strides = array<i32>} : memref<128xi32, #tpu.memory_space<vmem>>, vector<16xi32>,
      %swap3A_107 = vector.shape_cast %swap3A_106 : vector<16xi32> to vector<16xi32>
      %swap3A_108 = vector.shape_cast %and3A_104 : vector<16xi32> to vector<16xi32>
      tpu.vector_store %arg8[%swap3A_105], %swap3A_108 {strides = array<i32>} : memref<128xi32, #tpu.memory_space<vmem>>, vector<16xi32>,
      %shift_right_logical3A_109 = arith.constant 16 : i32
      %shift_right_logical3A_110 = vector.broadcast %shift_right_logical3A_109 : i32 to vector<16xi32>
      %shift_right_logical3A_111 = arith.shrui %get3A_101, %shift_right_logical3A_110 : vector<16xi32>
      %swap3A_112 = arith.constant 64 : index
      %swap3A_113 = tpu.vector_load %arg9[%swap3A_112] {strides = array<i32>} : memref<128xi32, #tpu.memory_space<vmem>>, vector<16xi32>,
      %swap3A_114 = vector.shape_cast %swap3A_113 : vector<16xi32> to vector<16xi32>
      %swap3A_115 = vector.shape_cast %shift_right_logical3A_111 : vector<16xi32> to vector<16xi32>
      tpu.vector_store %arg9[%swap3A_112], %swap3A_115 {strides = array<i32>} : memref<128xi32, #tpu.memory_space<vmem>>, vector<16xi32>,
      %get3A_116 = arith.index_cast %while3A_29 : i32 to index
      %get3A_117 = arith.constant 80 : index
      %get3A_118 = tpu.vector_load %arg7[%get3A_116, %get3A_117] {strides = array<i32>} : memref<144x128xi32, #tpu.memory_space<vmem>>, vector<1x16xi32>,
      %get3A_119 = vector.shape_cast %get3A_118 : vector<1x16xi32> to vector<16xi32>
      %and3A_120 = arith.constant 65535 : i32
      %and3A_121 = vector.broadcast %and3A_120 : i32 to vector<16xi32>
      %and3A_122 = arith.andi %get3A_119, %and3A_121 : vector<16xi32>
      %swap3A_123 = arith.constant 80 : index
      %swap3A_124 = tpu.vector_load %arg8[%swap3A_123] {strides = array<i32>} : memref<128xi32, #tpu.memory_space<vmem>>, vector<16xi32>,
      %swap3A_125 = vector.shape_cast %swap3A_124 : vector<16xi32> to vector<16xi32>
      %swap3A_126 = vector.shape_cast %and3A_122 : vector<16xi32> to vector<16xi32>
      tpu.vector_store %arg8[%swap3A_123], %swap3A_126 {strides = array<i32>} : memref<128xi32, #tpu.memory_space<vmem>>, vector<16xi32>,
      %shift_right_logical3A_127 = arith.constant 16 : i32
      %shift_right_logical3A_128 = vector.broadcast %shift_right_logical3A_127 : i32 to vector<16xi32>
      %shift_right_logical3A_129 = arith.shrui %get3A_119, %shift_right_logical3A_128 : vector<16xi32>
      %swap3A_130 = arith.constant 80 : index
      %swap3A_131 = tpu.vector_load %arg9[%swap3A_130] {strides = array<i32>} : memref<128xi32, #tpu.memory_space<vmem>>, vector<16xi32>,
      %swap3A_132 = vector.shape_cast %swap3A_131 : vector<16xi32> to vector<16xi32>
      %swap3A_133 = vector.shape_cast %shift_right_logical3A_129 : vector<16xi32> to vector<16xi32>
      tpu.vector_store %arg9[%swap3A_130], %swap3A_133 {strides = array<i32>} : memref<128xi32, #tpu.memory_space<vmem>>, vector<16xi32>,
      %get3A_134 = arith.index_cast %while3A_29 : i32 to index
      %get3A_135 = arith.constant 96 : index
      %get3A_136 = tpu.vector_load %arg7[%get3A_134, %get3A_135] {strides = array<i32>} : memref<144x128xi32, #tpu.memory_space<vmem>>, vector<1x16xi32>,
      %get3A_137 = vector.shape_cast %get3A_136 : vector<1x16xi32> to vector<16xi32>
      %and3A_138 = arith.constant 65535 : i32
      %and3A_139 = vector.broadcast %and3A_138 : i32 to vector<16xi32>
      %and3A_140 = arith.andi %get3A_137, %and3A_139 : vector<16xi32>
      %swap3A_141 = arith.constant 96 : index
      %swap3A_142 = tpu.vector_load %arg8[%swap3A_141] {strides = array<i32>} : memref<128xi32, #tpu.memory_space<vmem>>, vector<16xi32>,
      %swap3A_143 = vector.shape_cast %swap3A_142 : vector<16xi32> to vector<16xi32>
      %swap3A_144 = vector.shape_cast %and3A_140 : vector<16xi32> to vector<16xi32>
      tpu.vector_store %arg8[%swap3A_141], %swap3A_144 {strides = array<i32>} : memref<128xi32, #tpu.memory_space<vmem>>, vector<16xi32>,
      %shift_right_logical3A_145 = arith.constant 16 : i32
      %shift_right_logical3A_146 = vector.broadcast %shift_right_logical3A_145 : i32 to vector<16xi32>
      %shift_right_logical3A_147 = arith.shrui %get3A_137, %shift_right_logical3A_146 : vector<16xi32>
      %swap3A_148 = arith.constant 96 : index
      %swap3A_149 = tpu.vector_load %arg9[%swap3A_148] {strides = array<i32>} : memref<128xi32, #tpu.memory_space<vmem>>, vector<16xi32>,
      %swap3A_150 = vector.shape_cast %swap3A_149 : vector<16xi32> to vector<16xi32>
      %swap3A_151 = vector.shape_cast %shift_right_logical3A_147 : vector<16xi32> to vector<16xi32>
      tpu.vector_store %arg9[%swap3A_148], %swap3A_151 {strides = array<i32>} : memref<128xi32, #tpu.memory_space<vmem>>, vector<16xi32>,
      %get3A_152 = arith.index_cast %while3A_29 : i32 to index
      %get3A_153 = arith.constant 112 : index
      %get3A_154 = tpu.vector_load %arg7[%get3A_152, %get3A_153] {strides = array<i32>} : memref<144x128xi32, #tpu.memory_space<vmem>>, vector<1x16xi32>,
      %get3A_155 = vector.shape_cast %get3A_154 : vector<1x16xi32> to vector<16xi32>
      %and3A_156 = arith.constant 65535 : i32
      %and3A_157 = vector.broadcast %and3A_156 : i32 to vector<16xi32>
      %and3A_158 = arith.andi %get3A_155, %and3A_157 : vector<16xi32>
      %swap3A_159 = arith.constant 112 : index
      %swap3A_160 = tpu.vector_load %arg8[%swap3A_159] {strides = array<i32>} : memref<128xi32, #tpu.memory_space<vmem>>, vector<16xi32>,
      %swap3A_161 = vector.shape_cast %swap3A_160 : vector<16xi32> to vector<16xi32>
      %swap3A_162 = vector.shape_cast %and3A_158 : vector<16xi32> to vector<16xi32>
      tpu.vector_store %arg8[%swap3A_159], %swap3A_162 {strides = array<i32>} : memref<128xi32, #tpu.memory_space<vmem>>, vector<16xi32>,
      %shift_right_logical3A_163 = arith.constant 16 : i32
      %shift_right_logical3A_164 = vector.broadcast %shift_right_logical3A_163 : i32 to vector<16xi32>
      %shift_right_logical3A_165 = arith.shrui %get3A_155, %shift_right_logical3A_164 : vector<16xi32>
      %swap3A_166 = arith.constant 112 : index
      %swap3A_167 = tpu.vector_load %arg9[%swap3A_166] {strides = array<i32>} : memref<128xi32, #tpu.memory_space<vmem>>, vector<16xi32>,
      %swap3A_168 = vector.shape_cast %swap3A_167 : vector<16xi32> to vector<16xi32>
      %swap3A_169 = vector.shape_cast %shift_right_logical3A_165 : vector<16xi32> to vector<16xi32>
      tpu.vector_store %arg9[%swap3A_166], %swap3A_169 {strides = array<i32>} : memref<128xi32, #tpu.memory_space<vmem>>, vector<16xi32>,
      %dma_start3A = arith.constant 0 : i32
      %dma_start3A_170 = arith.constant 0 : i32
      %dma_start3A_171 = tpu.memref_slice %arg2[%dma_start3A, %dma_start3A_170] : memref<10000x128xf32, #tpu.memory_space<hbm>> -> memref<10000x128xf32, #tpu.memory_space<hbm>>
      tpu.enqueue_indirect_dma source(%dma_start3A_171 : memref<10000x128xf32, #tpu.memory_space<hbm>>) target(%arg10 : memref<128x128xf32, #tpu.memory_space<vmem>>) offsets(%arg8 : memref<128xi32, #tpu.memory_space<vmem>>) semaphore(%arg12 : memref<!tpu.dma_semaphore, #tpu.memory_space<semaphore_mem>>)
      %dma_wait3A = arith.constant 0 : i32
      %dma_wait3A_172 = arith.constant 0 : i32
      %dma_wait3A_173 = tpu.memref_slice %arg2[%dma_wait3A, %dma_wait3A_172] : memref<10000x128xf32, #tpu.memory_space<hbm>> -> memref<10000x128xf32, #tpu.memory_space<hbm>>
      tpu.wait_indirect_dma semaphore(%arg12 : memref<!tpu.dma_semaphore, #tpu.memory_space<semaphore_mem>>) src(%dma_wait3A_173 : memref<10000x128xf32, #tpu.memory_space<hbm>>) dst(%arg10 : memref<128x128xf32, #tpu.memory_space<vmem>>)
      "tpu.region"() ({
        %run_scoped3A = tpu.sem_alloc : memref<!tpu.dma_semaphore, #tpu.memory_space<semaphore_mem>>
        %dma_start3A_174 = arith.constant 0 : i32
        %dma_start3A_175 = arith.constant 0 : i32
        %dma_start3A_176 = tpu.memref_slice %arg11[%dma_start3A_174, %dma_start3A_175] : memref<10112x128xf32, #tpu.memory_space<vmem_shared>> -> memref<10112x128xf32, #tpu.memory_space<vmem_shared>>
        tpu.enqueue_indirect_dma source(%arg10 : memref<128x128xf32, #tpu.memory_space<vmem>>) target(%dma_start3A_176 : memref<10112x128xf32, #tpu.memory_space<vmem_shared>>) offsets(%arg9 : memref<128xi32, #tpu.memory_space<vmem>>) semaphore(%run_scoped3A : memref<!tpu.dma_semaphore, #tpu.memory_space<semaphore_mem>>) {add = true}
        %dma_wait3A_177 = arith.constant 0 : i32
        %dma_wait3A_178 = arith.constant 0 : i32
        %dma_wait3A_179 = tpu.memref_slice %arg11[%dma_wait3A_177, %dma_wait3A_178] : memref<10112x128xf32, #tpu.memory_space<vmem_shared>> -> memref<10112x128xf32, #tpu.memory_space<vmem_shared>>
        tpu.wait_indirect_dma semaphore(%run_scoped3A : memref<!tpu.dma_semaphore, #tpu.memory_space<semaphore_mem>>) src(%arg10 : memref<128x128xf32, #tpu.memory_space<vmem>>) dst(%dma_wait3A_179 : memref<10112x128xf32, #tpu.memory_space<vmem_shared>>)
        tpu.yield
      }) : () -> ()
    }
    %while3A_19 = arith.constant 1 : i32
    scf.for %while3A_29 = %while3A_17 to %while3A_13 step %while3A_19  : i32 {
      %get3A = arith.index_cast %while3A_29 : i32 to index
      %get3A_30 = arith.constant 0 : index
      %get3A_31 = tpu.vector_load %arg7[%get3A, %get3A_30] {strides = array<i32>} : memref<144x128xi32, #tpu.memory_space<vmem>>, vector<1x16xi32>,
      %get3A_32 = vector.shape_cast %get3A_31 : vector<1x16xi32> to vector<16xi32>
      %and3A = arith.constant 65535 : i32
      %and3A_33 = vector.broadcast %and3A : i32 to vector<16xi32>
      %and3A_34 = arith.andi %get3A_32, %and3A_33 : vector<16xi32>
      %swap3A = arith.constant 0 : index
      %swap3A_35 = tpu.vector_load %arg8[%swap3A] {strides = array<i32>} : memref<128xi32, #tpu.memory_space<vmem>>, vector<16xi32>,
      %swap3A_36 = vector.shape_cast %swap3A_35 : vector<16xi32> to vector<16xi32>
      %swap3A_37 = vector.shape_cast %and3A_34 : vector<16xi32> to vector<16xi32>
      tpu.vector_store %arg8[%swap3A], %swap3A_37 {strides = array<i32>} : memref<128xi32, #tpu.memory_space<vmem>>, vector<16xi32>,
      %shift_right_logical3A = arith.constant 16 : i32
      %shift_right_logical3A_38 = vector.broadcast %shift_right_logical3A : i32 to vector<16xi32>
      %shift_right_logical3A_39 = arith.shrui %get3A_32, %shift_right_logical3A_38 : vector<16xi32>
      %swap3A_40 = arith.constant 0 : index
      %swap3A_41 = tpu.vector_load %arg9[%swap3A_40] {strides = array<i32>} : memref<128xi32, #tpu.memory_space<vmem>>, vector<16xi32>,
      %swap3A_42 = vector.shape_cast %swap3A_41 : vector<16xi32> to vector<16xi32>
      %swap3A_43 = vector.shape_cast %shift_right_logical3A_39 : vector<16xi32> to vector<16xi32>
      tpu.vector_store %arg9[%swap3A_40], %swap3A_43 {strides = array<i32>} : memref<128xi32, #tpu.memory_space<vmem>>, vector<16xi32>,
      %get3A_44 = arith.index_cast %while3A_29 : i32 to index
      %get3A_45 = arith.constant 16 : index
      %get3A_46 = tpu.vector_load %arg7[%get3A_44, %get3A_45] {strides = array<i32>} : memref<144x128xi32, #tpu.memory_space<vmem>>, vector<1x16xi32>,
      %get3A_47 = vector.shape_cast %get3A_46 : vector<1x16xi32> to vector<16xi32>
      %and3A_48 = arith.constant 65535 : i32
      %and3A_49 = vector.broadcast %and3A_48 : i32 to vector<16xi32>
      %and3A_50 = arith.andi %get3A_47, %and3A_49 : vector<16xi32>
      %swap3A_51 = arith.constant 16 : index
      %swap3A_52 = tpu.vector_load %arg8[%swap3A_51] {strides = array<i32>} : memref<128xi32, #tpu.memory_space<vmem>>, vector<16xi32>,
      %swap3A_53 = vector.shape_cast %swap3A_52 : vector<16xi32> to vector<16xi32>
      %swap3A_54 = vector.shape_cast %and3A_50 : vector<16xi32> to vector<16xi32>
      tpu.vector_store %arg8[%swap3A_51], %swap3A_54 {strides = array<i32>} : memref<128xi32, #tpu.memory_space<vmem>>, vector<16xi32>,
      %shift_right_logical3A_55 = arith.constant 16 : i32
      %shift_right_logical3A_56 = vector.broadcast %shift_right_logical3A_55 : i32 to vector<16xi32>
      %shift_right_logical3A_57 = arith.shrui %get3A_47, %shift_right_logical3A_56 : vector<16xi32>
      %swap3A_58 = arith.constant 16 : index
      %swap3A_59 = tpu.vector_load %arg9[%swap3A_58] {strides = array<i32>} : memref<128xi32, #tpu.memory_space<vmem>>, vector<16xi32>,
      %swap3A_60 = vector.shape_cast %swap3A_59 : vector<16xi32> to vector<16xi32>
      %swap3A_61 = vector.shape_cast %shift_right_logical3A_57 : vector<16xi32> to vector<16xi32>
      tpu.vector_store %arg9[%swap3A_58], %swap3A_61 {strides = array<i32>} : memref<128xi32, #tpu.memory_space<vmem>>, vector<16xi32>,
      %get3A_62 = arith.index_cast %while3A_29 : i32 to index
      %get3A_63 = arith.constant 32 : index
      %get3A_64 = tpu.vector_load %arg7[%get3A_62, %get3A_63] {strides = array<i32>} : memref<144x128xi32, #tpu.memory_space<vmem>>, vector<1x16xi32>,
      %get3A_65 = vector.shape_cast %get3A_64 : vector<1x16xi32> to vector<16xi32>
      %and3A_66 = arith.constant 65535 : i32
      %and3A_67 = vector.broadcast %and3A_66 : i32 to vector<16xi32>
      %and3A_68 = arith.andi %get3A_65, %and3A_67 : vector<16xi32>
      %swap3A_69 = arith.constant 32 : index
      %swap3A_70 = tpu.vector_load %arg8[%swap3A_69] {strides = array<i32>} : memref<128xi32, #tpu.memory_space<vmem>>, vector<16xi32>,
      %swap3A_71 = vector.shape_cast %swap3A_70 : vector<16xi32> to vector<16xi32>
      %swap3A_72 = vector.shape_cast %and3A_68 : vector<16xi32> to vector<16xi32>
      tpu.vector_store %arg8[%swap3A_69], %swap3A_72 {strides = array<i32>} : memref<128xi32, #tpu.memory_space<vmem>>, vector<16xi32>,
      %shift_right_logical3A_73 = arith.constant 16 : i32
      %shift_right_logical3A_74 = vector.broadcast %shift_right_logical3A_73 : i32 to vector<16xi32>
      %shift_right_logical3A_75 = arith.shrui %get3A_65, %shift_right_logical3A_74 : vector<16xi32>
      %swap3A_76 = arith.constant 32 : index
      %swap3A_77 = tpu.vector_load %arg9[%swap3A_76] {strides = array<i32>} : memref<128xi32, #tpu.memory_space<vmem>>, vector<16xi32>,
      %swap3A_78 = vector.shape_cast %swap3A_77 : vector<16xi32> to vector<16xi32>
      %swap3A_79 = vector.shape_cast %shift_right_logical3A_75 : vector<16xi32> to vector<16xi32>
      tpu.vector_store %arg9[%swap3A_76], %swap3A_79 {strides = array<i32>} : memref<128xi32, #tpu.memory_space<vmem>>, vector<16xi32>,
      %get3A_80 = arith.index_cast %while3A_29 : i32 to index
      %get3A_81 = arith.constant 48 : index
      %get3A_82 = tpu.vector_load %arg7[%get3A_80, %get3A_81] {strides = array<i32>} : memref<144x128xi32, #tpu.memory_space<vmem>>, vector<1x16xi32>,
      %get3A_83 = vector.shape_cast %get3A_82 : vector<1x16xi32> to vector<16xi32>
      %and3A_84 = arith.constant 65535 : i32
      %and3A_85 = vector.broadcast %and3A_84 : i32 to vector<16xi32>
      %and3A_86 = arith.andi %get3A_83, %and3A_85 : vector<16xi32>
      %swap3A_87 = arith.constant 48 : index
      %swap3A_88 = tpu.vector_load %arg8[%swap3A_87] {strides = array<i32>} : memref<128xi32, #tpu.memory_space<vmem>>, vector<16xi32>,
      %swap3A_89 = vector.shape_cast %swap3A_88 : vector<16xi32> to vector<16xi32>
      %swap3A_90 = vector.shape_cast %and3A_86 : vector<16xi32> to vector<16xi32>
      tpu.vector_store %arg8[%swap3A_87], %swap3A_90 {strides = array<i32>} : memref<128xi32, #tpu.memory_space<vmem>>, vector<16xi32>,
      %shift_right_logical3A_91 = arith.constant 16 : i32
      %shift_right_logical3A_92 = vector.broadcast %shift_right_logical3A_91 : i32 to vector<16xi32>
      %shift_right_logical3A_93 = arith.shrui %get3A_83, %shift_right_logical3A_92 : vector<16xi32>
      %swap3A_94 = arith.constant 48 : index
      %swap3A_95 = tpu.vector_load %arg9[%swap3A_94] {strides = array<i32>} : memref<128xi32, #tpu.memory_space<vmem>>, vector<16xi32>,
      %swap3A_96 = vector.shape_cast %swap3A_95 : vector<16xi32> to vector<16xi32>
      %swap3A_97 = vector.shape_cast %shift_right_logical3A_93 : vector<16xi32> to vector<16xi32>
      tpu.vector_store %arg9[%swap3A_94], %swap3A_97 {strides = array<i32>} : memref<128xi32, #tpu.memory_space<vmem>>, vector<16xi32>,
      %get3A_98 = arith.index_cast %while3A_29 : i32 to index
      %get3A_99 = arith.constant 64 : index
      %get3A_100 = tpu.vector_load %arg7[%get3A_98, %get3A_99] {strides = array<i32>} : memref<144x128xi32, #tpu.memory_space<vmem>>, vector<1x16xi32>,
      %get3A_101 = vector.shape_cast %get3A_100 : vector<1x16xi32> to vector<16xi32>
      %and3A_102 = arith.constant 65535 : i32
      %and3A_103 = vector.broadcast %and3A_102 : i32 to vector<16xi32>
      %and3A_104 = arith.andi %get3A_101, %and3A_103 : vector<16xi32>
      %swap3A_105 = arith.constant 64 : index
      %swap3A_106 = tpu.vector_load %arg8[%swap3A_105] {strides = array<i32>} : memref<128xi32, #tpu.memory_space<vmem>>, vector<16xi32>,
      %swap3A_107 = vector.shape_cast %swap3A_106 : vector<16xi32> to vector<16xi32>
      %swap3A_108 = vector.shape_cast %and3A_104 : vector<16xi32> to vector<16xi32>
      tpu.vector_store %arg8[%swap3A_105], %swap3A_108 {strides = array<i32>} : memref<128xi32, #tpu.memory_space<vmem>>, vector<16xi32>,
      %shift_right_logical3A_109 = arith.constant 16 : i32
      %shift_right_logical3A_110 = vector.broadcast %shift_right_logical3A_109 : i32 to vector<16xi32>
      %shift_right_logical3A_111 = arith.shrui %get3A_101, %shift_right_logical3A_110 : vector<16xi32>
      %swap3A_112 = arith.constant 64 : index
      %swap3A_113 = tpu.vector_load %arg9[%swap3A_112] {strides = array<i32>} : memref<128xi32, #tpu.memory_space<vmem>>, vector<16xi32>,
      %swap3A_114 = vector.shape_cast %swap3A_113 : vector<16xi32> to vector<16xi32>
      %swap3A_115 = vector.shape_cast %shift_right_logical3A_111 : vector<16xi32> to vector<16xi32>
      tpu.vector_store %arg9[%swap3A_112], %swap3A_115 {strides = array<i32>} : memref<128xi32, #tpu.memory_space<vmem>>, vector<16xi32>,
      %get3A_116 = arith.index_cast %while3A_29 : i32 to index
      %get3A_117 = arith.constant 80 : index
      %get3A_118 = tpu.vector_load %arg7[%get3A_116, %get3A_117] {strides = array<i32>} : memref<144x128xi32, #tpu.memory_space<vmem>>, vector<1x16xi32>,
      %get3A_119 = vector.shape_cast %get3A_118 : vector<1x16xi32> to vector<16xi32>
      %and3A_120 = arith.constant 65535 : i32
      %and3A_121 = vector.broadcast %and3A_120 : i32 to vector<16xi32>
      %and3A_122 = arith.andi %get3A_119, %and3A_121 : vector<16xi32>
      %swap3A_123 = arith.constant 80 : index
      %swap3A_124 = tpu.vector_load %arg8[%swap3A_123] {strides = array<i32>} : memref<128xi32, #tpu.memory_space<vmem>>, vector<16xi32>,
      %swap3A_125 = vector.shape_cast %swap3A_124 : vector<16xi32> to vector<16xi32>
      %swap3A_126 = vector.shape_cast %and3A_122 : vector<16xi32> to vector<16xi32>
      tpu.vector_store %arg8[%swap3A_123], %swap3A_126 {strides = array<i32>} : memref<128xi32, #tpu.memory_space<vmem>>, vector<16xi32>,
      %shift_right_logical3A_127 = arith.constant 16 : i32
      %shift_right_logical3A_128 = vector.broadcast %shift_right_logical3A_127 : i32 to vector<16xi32>
      %shift_right_logical3A_129 = arith.shrui %get3A_119, %shift_right_logical3A_128 : vector<16xi32>
      %swap3A_130 = arith.constant 80 : index
      %swap3A_131 = tpu.vector_load %arg9[%swap3A_130] {strides = array<i32>} : memref<128xi32, #tpu.memory_space<vmem>>, vector<16xi32>,
      %swap3A_132 = vector.shape_cast %swap3A_131 : vector<16xi32> to vector<16xi32>
      %swap3A_133 = vector.shape_cast %shift_right_logical3A_129 : vector<16xi32> to vector<16xi32>
      tpu.vector_store %arg9[%swap3A_130], %swap3A_133 {strides = array<i32>} : memref<128xi32, #tpu.memory_space<vmem>>, vector<16xi32>,
      %get3A_134 = arith.index_cast %while3A_29 : i32 to index
      %get3A_135 = arith.constant 96 : index
      %get3A_136 = tpu.vector_load %arg7[%get3A_134, %get3A_135] {strides = array<i32>} : memref<144x128xi32, #tpu.memory_space<vmem>>, vector<1x16xi32>,
      %get3A_137 = vector.shape_cast %get3A_136 : vector<1x16xi32> to vector<16xi32>
      %and3A_138 = arith.constant 65535 : i32
      %and3A_139 = vector.broadcast %and3A_138 : i32 to vector<16xi32>
      %and3A_140 = arith.andi %get3A_137, %and3A_139 : vector<16xi32>
      %swap3A_141 = arith.constant 96 : index
      %swap3A_142 = tpu.vector_load %arg8[%swap3A_141] {strides = array<i32>} : memref<128xi32, #tpu.memory_space<vmem>>, vector<16xi32>,
      %swap3A_143 = vector.shape_cast %swap3A_142 : vector<16xi32> to vector<16xi32>
      %swap3A_144 = vector.shape_cast %and3A_140 : vector<16xi32> to vector<16xi32>
      tpu.vector_store %arg8[%swap3A_141], %swap3A_144 {strides = array<i32>} : memref<128xi32, #tpu.memory_space<vmem>>, vector<16xi32>,
      %shift_right_logical3A_145 = arith.constant 16 : i32
      %shift_right_logical3A_146 = vector.broadcast %shift_right_logical3A_145 : i32 to vector<16xi32>
      %shift_right_logical3A_147 = arith.shrui %get3A_137, %shift_right_logical3A_146 : vector<16xi32>
      %swap3A_148 = arith.constant 96 : index
      %swap3A_149 = tpu.vector_load %arg9[%swap3A_148] {strides = array<i32>} : memref<128xi32, #tpu.memory_space<vmem>>, vector<16xi32>,
      %swap3A_150 = vector.shape_cast %swap3A_149 : vector<16xi32> to vector<16xi32>
      %swap3A_151 = vector.shape_cast %shift_right_logical3A_147 : vector<16xi32> to vector<16xi32>
      tpu.vector_store %arg9[%swap3A_148], %swap3A_151 {strides = array<i32>} : memref<128xi32, #tpu.memory_space<vmem>>, vector<16xi32>,
      %get3A_152 = arith.index_cast %while3A_29 : i32 to index
      %get3A_153 = arith.constant 112 : index
      %get3A_154 = tpu.vector_load %arg7[%get3A_152, %get3A_153] {strides = array<i32>} : memref<144x128xi32, #tpu.memory_space<vmem>>, vector<1x16xi32>,
      %get3A_155 = vector.shape_cast %get3A_154 : vector<1x16xi32> to vector<16xi32>
      %and3A_156 = arith.constant 65535 : i32
      %and3A_157 = vector.broadcast %and3A_156 : i32 to vector<16xi32>
      %and3A_158 = arith.andi %get3A_155, %and3A_157 : vector<16xi32>
      %swap3A_159 = arith.constant 112 : index
      %swap3A_160 = tpu.vector_load %arg8[%swap3A_159] {strides = array<i32>} : memref<128xi32, #tpu.memory_space<vmem>>, vector<16xi32>,
      %swap3A_161 = vector.shape_cast %swap3A_160 : vector<16xi32> to vector<16xi32>
      %swap3A_162 = vector.shape_cast %and3A_158 : vector<16xi32> to vector<16xi32>
      tpu.vector_store %arg8[%swap3A_159], %swap3A_162 {strides = array<i32>} : memref<128xi32, #tpu.memory_space<vmem>>, vector<16xi32>,
      %shift_right_logical3A_163 = arith.constant 16 : i32
      %shift_right_logical3A_164 = vector.broadcast %shift_right_logical3A_163 : i32 to vector<16xi32>
      %shift_right_logical3A_165 = arith.shrui %get3A_155, %shift_right_logical3A_164 : vector<16xi32>
      %swap3A_166 = arith.constant 112 : index
      %swap3A_167 = tpu.vector_load %arg9[%swap3A_166] {strides = array<i32>} : memref<128xi32, #tpu.memory_space<vmem>>, vector<16xi32>,
      %swap3A_168 = vector.shape_cast %swap3A_167 : vector<16xi32> to vector<16xi32>
      %swap3A_169 = vector.shape_cast %shift_right_logical3A_165 : vector<16xi32> to vector<16xi32>
      tpu.vector_store %arg9[%swap3A_166], %swap3A_169 {strides = array<i32>} : memref<128xi32, #tpu.memory_space<vmem>>, vector<16xi32>,
      %dma_start3A = arith.constant 0 : i32
      %dma_start3A_170 = arith.constant 0 : i32
      %dma_start3A_171 = tpu.memref_slice %arg2[%dma_start3A, %dma_start3A_170] : memref<10000x128xf32, #tpu.memory_space<hbm>> -> memref<10000x128xf32, #tpu.memory_space<hbm>>
      tpu.enqueue_indirect_dma source(%dma_start3A_171 : memref<10000x128xf32, #tpu.memory_space<hbm>>) target(%arg10 : memref<128x128xf32, #tpu.memory_space<vmem>>) offsets(%arg8 : memref<128xi32, #tpu.memory_space<vmem>>) semaphore(%arg12 : memref<!tpu.dma_semaphore, #tpu.memory_space<semaphore_mem>>)
      %dma_wait3A = arith.constant 0 : i32
      %dma_wait3A_172 = arith.constant 0 : i32
      %dma_wait3A_173 = tpu.memref_slice %arg2[%dma_wait3A, %dma_wait3A_172] : memref<10000x128xf32, #tpu.memory_space<hbm>> -> memref<10000x128xf32, #tpu.memory_space<hbm>>
      tpu.wait_indirect_dma semaphore(%arg12 : memref<!tpu.dma_semaphore, #tpu.memory_space<semaphore_mem>>) src(%dma_wait3A_173 : memref<10000x128xf32, #tpu.memory_space<hbm>>) dst(%arg10 : memref<128x128xf32, #tpu.memory_space<vmem>>)
      "tpu.region"() ({
        %run_scoped3A = tpu.sem_alloc : memref<!tpu.dma_semaphore, #tpu.memory_space<semaphore_mem>>
        %dma_start3A_174 = arith.constant 0 : i32
        %dma_start3A_175 = arith.constant 0 : i32
        %dma_start3A_176 = tpu.memref_slice %arg11[%dma_start3A_174, %dma_start3A_175] : memref<10112x128xf32, #tpu.memory_space<vmem_shared>> -> memref<10112x128xf32, #tpu.memory_space<vmem_shared>>
        tpu.enqueue_indirect_dma source(%arg10 : memref<128x128xf32, #tpu.memory_space<vmem>>) target(%dma_start3A_176 : memref<10112x128xf32, #tpu.memory_space<vmem_shared>>) offsets(%arg9 : memref<128xi32, #tpu.memory_space<vmem>>) semaphore(%run_scoped3A : memref<!tpu.dma_semaphore, #tpu.memory_space<semaphore_mem>>) {add = true}
        %dma_wait3A_177 = arith.constant 0 : i32
        %dma_wait3A_178 = arith.constant 0 : i32
        %dma_wait3A_179 = tpu.memref_slice %arg11[%dma_wait3A_177, %dma_wait3A_178] : memref<10112x128xf32, #tpu.memory_space<vmem_shared>> -> memref<10112x128xf32, #tpu.memory_space<vmem_shared>>
        tpu.wait_indirect_dma semaphore(%run_scoped3A : memref<!tpu.dma_semaphore, #tpu.memory_space<semaphore_mem>>) src(%arg10 : memref<128x128xf32, #tpu.memory_space<vmem>>) dst(%dma_wait3A_179 : memref<10112x128xf32, #tpu.memory_space<vmem_shared>>)
        tpu.yield
      }) : () -> ()
    }
    %barrier3A_20 = arith.constant 0 : index
    tpu.barrier barrier_id(%barrier3A_20)
    %eq3A_21 = arith.constant 0 : i32
    %eq3A_22 = arith.cmpi eq, %arg0, %eq3A_21 : i32
    %convert_element_type3A = arith.extui %eq3A_22 : i1 to i32
    %cond3A = arith.constant 0 : i32
    %cond3A_23 = arith.cmpi ne, %convert_element_type3A, %cond3A : i32
    scf.if %cond3A_23 {
      "tpu.region"() ({
        %run_scoped3A = tpu.sem_alloc : memref<!tpu.dma_semaphore, #tpu.memory_space<semaphore_mem>>
        %dma_start3A = arith.constant 0 : i32
        %dma_start3A_29 = tpu.memref_slice %arg5[%mul3A_10, %dma_start3A] : memref<10112x128xf32, #tpu.memory_space<hbm>> -> memref<632x128xf32, #tpu.memory_space<hbm>>
        %dma_start3A_30 = arith.constant 0 : i32
        %dma_start3A_31 = tpu.memref_slice %arg11[%mul3A_10, %dma_start3A_30] : memref<10112x128xf32, #tpu.memory_space<vmem_shared>> -> memref<632x128xf32, #tpu.memory_space<vmem_shared>>
        tpu.enqueue_dma source(%dma_start3A_31 : memref<632x128xf32, #tpu.memory_space<vmem_shared>>) target(%dma_start3A_29 : memref<632x128xf32, #tpu.memory_space<hbm>>) target_semaphore(%run_scoped3A : memref<!tpu.dma_semaphore, #tpu.memory_space<semaphore_mem>>)
        %dma_wait3A = arith.constant 0 : i32
        %dma_wait3A_32 = tpu.memref_slice %arg5[%mul3A_10, %dma_wait3A] : memref<10112x128xf32, #tpu.memory_space<hbm>> -> memref<632x128xf32, #tpu.memory_space<hbm>>
        %dma_wait3A_33 = arith.constant 0 : i32
        %dma_wait3A_34 = tpu.memref_slice %arg11[%mul3A_10, %dma_wait3A_33] : memref<10112x128xf32, #tpu.memory_space<vmem_shared>> -> memref<632x128xf32, #tpu.memory_space<vmem_shared>>
        tpu.wait_dma2 semaphore(%run_scoped3A : memref<!tpu.dma_semaphore, #tpu.memory_space<semaphore_mem>>) src(%dma_wait3A_34 : memref<632x128xf32, #tpu.memory_space<vmem_shared>>) dst(%dma_wait3A_32 : memref<632x128xf32, #tpu.memory_space<hbm>>)
        tpu.yield
      }) : () -> ()
    } else {
    }
    %eq3A_24 = arith.constant 1 : i32
    %eq3A_25 = arith.cmpi eq, %arg0, %eq3A_24 : i32
    %convert_element_type3A_26 = arith.extui %eq3A_25 : i1 to i32
    %cond3A_27 = arith.constant 0 : i32
    %cond3A_28 = arith.cmpi ne, %convert_element_type3A_26, %cond3A_27 : i32
    scf.if %cond3A_28 {
      "tpu.region"() ({
        %run_scoped3A = tpu.sem_alloc : memref<!tpu.dma_semaphore, #tpu.memory_space<semaphore_mem>>
        %dma_start3A = arith.constant 0 : i32
        %dma_start3A_29 = tpu.memref_slice %arg6[%mul3A_10, %dma_start3A] : memref<10112x128xf32, #tpu.memory_space<hbm>> -> memref<632x128xf32, #tpu.memory_space<hbm>>
        %dma_start3A_30 = arith.constant 0 : i32
        %dma_start3A_31 = tpu.memref_slice %arg11[%mul3A_10, %dma_start3A_30] : memref<10112x128xf32, #tpu.memory_space<vmem_shared>> -> memref<632x128xf32, #tpu.memory_space<vmem_shared>>
        tpu.enqueue_dma source(%dma_start3A_31 : memref<632x128xf32, #tpu.memory_space<vmem_shared>>) target(%dma_start3A_29 : memref<632x128xf32, #tpu.memory_space<hbm>>) target_semaphore(%run_scoped3A : memref<!tpu.dma_semaphore, #tpu.memory_space<semaphore_mem>>)
        %dma_wait3A = arith.constant 0 : i32
        %dma_wait3A_32 = tpu.memref_slice %arg6[%mul3A_10, %dma_wait3A] : memref<10112x128xf32, #tpu.memory_space<hbm>> -> memref<632x128xf32, #tpu.memory_space<hbm>>
        %dma_wait3A_33 = arith.constant 0 : i32
        %dma_wait3A_34 = tpu.memref_slice %arg11[%mul3A_10, %dma_wait3A_33] : memref<10112x128xf32, #tpu.memory_space<vmem_shared>> -> memref<632x128xf32, #tpu.memory_space<vmem_shared>>
        tpu.wait_dma2 semaphore(%run_scoped3A : memref<!tpu.dma_semaphore, #tpu.memory_space<semaphore_mem>>) src(%dma_wait3A_34 : memref<632x128xf32, #tpu.memory_space<vmem_shared>>) dst(%dma_wait3A_32 : memref<632x128xf32, #tpu.memory_space<hbm>>)
        tpu.yield
      }) : () -> ()
    } else {
    }
    return
  }
}

module attributes {stable_mosaic.version = 14 : i64} {
  func.func @body(%arg0: i32, %arg1: memref<2000x128xf32, #tpu.memory_space<vmem>>, %arg2: memref<2000x128xf32, #tpu.memory_space<vmem>>, %arg3: memref<2000x128xf32, #tpu.memory_space<vmem>>, %arg4: memref<128x128xf32, #tpu.memory_space<vmem>>, %arg5: memref<128x128xf32, #tpu.memory_space<vmem>>, %arg6: memref<1x128xf32, #tpu.memory_space<vmem>>, %arg7: memref<2000x128xf32, #tpu.memory_space<vmem>>) attributes {dimension_semantics = [#tpu.dimension_semantics<arbitrary>], iteration_bounds = array<i64: 5>, scalar_prefetch = 0 : i64, scratch_operands = 0 : i64, tpu.core_type = #tpu.core_type<tc>, window_params = [{transform_indices = @transform_0, window_bounds = array<i64: 2000, 128>}, {transform_indices = @transform_1, window_bounds = array<i64: 2000, 128>}, {transform_indices = @transform_2, window_bounds = array<i64: 2000, 128>}, {pipeline_mode = #tpu.pipeline_mode<synchronous>, transform_indices = @transform_3, window_bounds = array<i64: 128, 128>}, {pipeline_mode = #tpu.pipeline_mode<synchronous>, transform_indices = @transform_4, window_bounds = array<i64: 128, 128>}, {pipeline_mode = #tpu.pipeline_mode<synchronous>, transform_indices = @transform_5, window_bounds = array<i64: 1, 128>}, {transform_indices = @transform_6, window_bounds = array<i64: 2000, 128>}]} {
    %get3A = arith.constant 0 : index
    %get3A_0 = arith.constant 0 : index
    %get3A_1 = vector.load %arg1[%get3A, %get3A_0] : memref<2000x128xf32, #tpu.memory_space<vmem>>, vector<2000x128xf32>
    %get3A_2 = arith.constant 0 : index
    %get3A_3 = arith.constant 0 : index
    %get3A_4 = vector.load %arg2[%get3A_2, %get3A_3] : memref<2000x128xf32, #tpu.memory_space<vmem>>, vector<2000x128xf32>
    %add3A = arith.addf %get3A_1, %get3A_4 : vector<2000x128xf32>
    %get3A_5 = arith.constant 0 : index
    %get3A_6 = arith.constant 0 : index
    %get3A_7 = vector.load %arg4[%get3A_5, %get3A_6] : memref<128x128xf32, #tpu.memory_space<vmem>>, vector<128x128xf32>
    %dot_general3A = arith.constant dense<0.000000e+00> : vector<2000x128xf32>
    %dot_general3A_8 = tpu.matmul %add3A, %get3A_7, %dot_general3A {dimension_numbers = #tpu.dot_dimension_numbers<[1], [0], [0], [1], [0, 0, 1, 1], [], []>, transpose_lhs_hint = false} : vector<2000x128xf32>, vector<128x128xf32>, vector<2000x128xf32> -> vector<2000x128xf32>
    %get3A_9 = arith.constant 0 : index
    %get3A_10 = arith.constant 0 : index
    %get3A_11 = vector.load %arg3[%get3A_9, %get3A_10] : memref<2000x128xf32, #tpu.memory_space<vmem>>, vector<2000x128xf32>
    %get3A_12 = arith.constant 0 : index
    %get3A_13 = arith.constant 0 : index
    %get3A_14 = vector.load %arg5[%get3A_12, %get3A_13] : memref<128x128xf32, #tpu.memory_space<vmem>>, vector<128x128xf32>
    %dot_general3A_15 = arith.constant dense<0.000000e+00> : vector<2000x128xf32>
    %dot_general3A_16 = tpu.matmul %get3A_11, %get3A_14, %dot_general3A_15 {dimension_numbers = #tpu.dot_dimension_numbers<[1], [0], [0], [1], [0, 0, 1, 1], [], []>, transpose_lhs_hint = false} : vector<2000x128xf32>, vector<128x128xf32>, vector<2000x128xf32> -> vector<2000x128xf32>
    %add3A_17 = arith.addf %dot_general3A_8, %dot_general3A_16 : vector<2000x128xf32>
    %get3A_18 = arith.constant 0 : index
    %get3A_19 = arith.constant 0 : index
    %get3A_20 = vector.load %arg6[%get3A_18, %get3A_19] : memref<1x128xf32, #tpu.memory_space<vmem>>, vector<1x128xf32>
    %add3A_21 = vector.broadcast %get3A_20 : vector<1x128xf32> to vector<2000x128xf32>
    %add3A_22 = arith.addf %add3A_17, %add3A_21 : vector<2000x128xf32>
    %max3A = arith.constant 0.000000e+00 : f32
    %max3A_23 = vector.broadcast %max3A : f32 to vector<2000x128xf32>
    %max3A_24 = arith.maximumf %add3A_22, %max3A_23 : vector<2000x128xf32>
    %swap3A = arith.constant 0 : index
    %swap3A_25 = arith.constant 0 : index
    %swap3A_26 = vector.load %arg7[%swap3A, %swap3A_25] : memref<2000x128xf32, #tpu.memory_space<vmem>>, vector<2000x128xf32>
    tpu.vector_store %arg7[%swap3A, %swap3A_25], %max3A_24 {strides = array<i32>} : memref<2000x128xf32, #tpu.memory_space<vmem>>, vector<2000x128xf32>,
    return
  }
  func.func @transform_0(%arg0: i32) -> (i32, i32) {
    %c0_i32 = arith.constant 0 : i32
    %c0_i32_0 = arith.constant 0 : i32
    return %arg0, %c0_i32 : i32, i32
  }
  func.func @transform_1(%arg0: i32) -> (i32, i32) {
    %c0_i32 = arith.constant 0 : i32
    %c0_i32_0 = arith.constant 0 : i32
    return %arg0, %c0_i32 : i32, i32
  }
  func.func @transform_2(%arg0: i32) -> (i32, i32) {
    %c0_i32 = arith.constant 0 : i32
    %c0_i32_0 = arith.constant 0 : i32
    return %arg0, %c0_i32 : i32, i32
  }
  func.func @transform_3(%arg0: i32) -> (i32, i32) {
    %c0_i32 = arith.constant 0 : i32
    %c0_i32_0 = arith.constant 0 : i32
    %c0_i32_1 = arith.constant 0 : i32
    return %c0_i32, %c0_i32_0 : i32, i32
  }
  func.func @transform_4(%arg0: i32) -> (i32, i32) {
    %c0_i32 = arith.constant 0 : i32
    %c0_i32_0 = arith.constant 0 : i32
    %c0_i32_1 = arith.constant 0 : i32
    return %c0_i32, %c0_i32_0 : i32, i32
  }
  func.func @transform_5(%arg0: i32) -> (i32, i32) {
    %c0_i32 = arith.constant 0 : i32
    %c0_i32_0 = arith.constant 0 : i32
    %c0_i32_1 = arith.constant 0 : i32
    return %c0_i32, %c0_i32_0 : i32, i32
  }
  func.func @transform_6(%arg0: i32) -> (i32, i32) {
    %c0_i32 = arith.constant 0 : i32
    %c0_i32_0 = arith.constant 0 : i32
    return %arg0, %c0_i32 : i32, i32
  }
}

module attributes {stable_mosaic.version = 14 : i64} {
  func.func @body(%arg0: i32, %arg1: memref<2000x128xf32, #tpu.memory_space<vmem>>, %arg2: memref<2000x128xf32, #tpu.memory_space<vmem>>, %arg3: memref<2000x128xf32, #tpu.memory_space<vmem>>, %arg4: memref<128x128xf32, #tpu.memory_space<vmem>>, %arg5: memref<128x128xf32, #tpu.memory_space<vmem>>, %arg6: memref<1x128xf32, #tpu.memory_space<vmem>>, %arg7: memref<2000x128xf32, #tpu.memory_space<vmem>>) attributes {dimension_semantics = [#tpu.dimension_semantics<arbitrary>], iteration_bounds = array<i64: 5>, scalar_prefetch = 0 : i64, scratch_operands = 0 : i64, tpu.core_type = #tpu.core_type<tc>, window_params = [{transform_indices = @transform_0, window_bounds = array<i64: 2000, 128>}, {transform_indices = @transform_1, window_bounds = array<i64: 2000, 128>}, {transform_indices = @transform_2, window_bounds = array<i64: 2000, 128>}, {pipeline_mode = #tpu.pipeline_mode<synchronous>, transform_indices = @transform_3, window_bounds = array<i64: 128, 128>}, {pipeline_mode = #tpu.pipeline_mode<synchronous>, transform_indices = @transform_4, window_bounds = array<i64: 128, 128>}, {pipeline_mode = #tpu.pipeline_mode<synchronous>, transform_indices = @transform_5, window_bounds = array<i64: 1, 128>}, {transform_indices = @transform_6, window_bounds = array<i64: 2000, 128>}]} {
    %get3A = arith.constant 0 : index
    %get3A_0 = arith.constant 0 : index
    %get3A_1 = vector.load %arg1[%get3A, %get3A_0] : memref<2000x128xf32, #tpu.memory_space<vmem>>, vector<2000x128xf32>
    %get3A_2 = arith.constant 0 : index
    %get3A_3 = arith.constant 0 : index
    %get3A_4 = vector.load %arg2[%get3A_2, %get3A_3] : memref<2000x128xf32, #tpu.memory_space<vmem>>, vector<2000x128xf32>
    %add3A = arith.addf %get3A_1, %get3A_4 : vector<2000x128xf32>
    %get3A_5 = arith.constant 0 : index
    %get3A_6 = arith.constant 0 : index
    %get3A_7 = vector.load %arg4[%get3A_5, %get3A_6] : memref<128x128xf32, #tpu.memory_space<vmem>>, vector<128x128xf32>
    %dot_general3A = arith.constant dense<0.000000e+00> : vector<2000x128xf32>
    %dot_general3A_8 = tpu.matmul %add3A, %get3A_7, %dot_general3A {dimension_numbers = #tpu.dot_dimension_numbers<[1], [0], [0], [1], [0, 0, 1, 1], [], []>, transpose_lhs_hint = false} : vector<2000x128xf32>, vector<128x128xf32>, vector<2000x128xf32> -> vector<2000x128xf32>
    %get3A_9 = arith.constant 0 : index
    %get3A_10 = arith.constant 0 : index
    %get3A_11 = vector.load %arg3[%get3A_9, %get3A_10] : memref<2000x128xf32, #tpu.memory_space<vmem>>, vector<2000x128xf32>
    %get3A_12 = arith.constant 0 : index
    %get3A_13 = arith.constant 0 : index
    %get3A_14 = vector.load %arg5[%get3A_12, %get3A_13] : memref<128x128xf32, #tpu.memory_space<vmem>>, vector<128x128xf32>
    %dot_general3A_15 = arith.constant dense<0.000000e+00> : vector<2000x128xf32>
    %dot_general3A_16 = tpu.matmul %get3A_11, %get3A_14, %dot_general3A_15 {dimension_numbers = #tpu.dot_dimension_numbers<[1], [0], [0], [1], [0, 0, 1, 1], [], []>, transpose_lhs_hint = false} : vector<2000x128xf32>, vector<128x128xf32>, vector<2000x128xf32> -> vector<2000x128xf32>
    %add3A_17 = arith.addf %dot_general3A_8, %dot_general3A_16 : vector<2000x128xf32>
    %get3A_18 = arith.constant 0 : index
    %get3A_19 = arith.constant 0 : index
    %get3A_20 = vector.load %arg6[%get3A_18, %get3A_19] : memref<1x128xf32, #tpu.memory_space<vmem>>, vector<1x128xf32>
    %add3A_21 = vector.broadcast %get3A_20 : vector<1x128xf32> to vector<2000x128xf32>
    %add3A_22 = arith.addf %add3A_17, %add3A_21 : vector<2000x128xf32>
    %max3A = arith.constant 0.000000e+00 : f32
    %max3A_23 = vector.broadcast %max3A : f32 to vector<2000x128xf32>
    %max3A_24 = arith.maximumf %add3A_22, %max3A_23 : vector<2000x128xf32>
    %swap3A = arith.constant 0 : index
    %swap3A_25 = arith.constant 0 : index
    %swap3A_26 = vector.load %arg7[%swap3A, %swap3A_25] : memref<2000x128xf32, #tpu.memory_space<vmem>>, vector<2000x128xf32>
    tpu.vector_store %arg7[%swap3A, %swap3A_25], %max3A_24 {strides = array<i32>} : memref<2000x128xf32, #tpu.memory_space<vmem>>, vector<2000x128xf32>,
    return
  }
  func.func @transform_0(%arg0: i32) -> (i32, i32) {
    %c0_i32 = arith.constant 0 : i32
    %c0_i32_0 = arith.constant 0 : i32
    return %arg0, %c0_i32 : i32, i32
  }
  func.func @transform_1(%arg0: i32) -> (i32, i32) {
    %c0_i32 = arith.constant 0 : i32
    %c0_i32_0 = arith.constant 0 : i32
    return %arg0, %c0_i32 : i32, i32
  }
  func.func @transform_2(%arg0: i32) -> (i32, i32) {
    %c0_i32 = arith.constant 0 : i32
    %c0_i32_0 = arith.constant 0 : i32
    return %arg0, %c0_i32 : i32, i32
  }
  func.func @transform_3(%arg0: i32) -> (i32, i32) {
    %c0_i32 = arith.constant 0 : i32
    %c0_i32_0 = arith.constant 0 : i32
    %c0_i32_1 = arith.constant 0 : i32
    return %c0_i32, %c0_i32_0 : i32, i32
  }
  func.func @transform_4(%arg0: i32) -> (i32, i32) {
    %c0_i32 = arith.constant 0 : i32
    %c0_i32_0 = arith.constant 0 : i32
    %c0_i32_1 = arith.constant 0 : i32
    return %c0_i32, %c0_i32_0 : i32, i32
  }
  func.func @transform_5(%arg0: i32) -> (i32, i32) {
    %c0_i32 = arith.constant 0 : i32
    %c0_i32_0 = arith.constant 0 : i32
    %c0_i32_1 = arith.constant 0 : i32
    return %c0_i32, %c0_i32_0 : i32, i32
  }
  func.func @transform_6(%arg0: i32) -> (i32, i32) {
    %c0_i32 = arith.constant 0 : i32
    %c0_i32_0 = arith.constant 0 : i32
    return %arg0, %c0_i32 : i32, i32
  }
}

</mosaic_0001>

<sc_bundles>
// kernel: kernel.6.cloned.1.call-start
scs
__scs_entry_jumppad:
0x0: {  	(pc) =	sbr.rel $0x88, $3  }
0x1: {  	(tag) =	ssettag $0x0;
	lr =	simm.s32 $0x1  }
0x2: {  	[smem:$0x3F99] =	sst lr;
	_ =	strace $0xD0000000  }
0x3: {  	_ = 	snop  }
0x4: {  	_ = 	snop  }
0x5: {  	_ = 	snop  }
0x6: {  	_ = 	snop  }
0x7: {  	_ = 	snop  }
__scs_overlays_trampoline_lowered:
0x8: {  	[smem:$0x3FA8] =	sst s0  }
0x9: {  	[smem:$0x3FA9] =	sst s1  }
0xa: {  	[smem:$0x3FAA] =	sst s2  }
0xb: {  	[smem:$0x3FAB] =	sst s3  }
0xc: {  	[smem:$0x3FAC] =	sst s4  }
0xd: {  	[smem:$0x3FAD] =	sst s5  }
0xe: {  	[smem:$0x3FAE] =	sst s6  }
0xf: {  	[smem:$0x3FAF] =	sst s7  }
0x10: {  	[smem:$0x3FB0] =	sst s8  }
0x11: {  	[smem:$0x3FB1] =	sst s9;
	s0 =	simm.s32 @!p0 $0x0  }
0x12: {  	s1 =	sld [smem:$0x3F97];
	s0 =	simm.s32 @p0 $0x1  }
0x13: {  	[smem:$0x3FB2] =	sst s0;
	s0 =	simm.s32 @!p1 $0x0  }
0x14: {  	s2 =	sld [smem:$0x3F96];
	s0 =	simm.s32 @p1 $0x1  }
0x15: {  	[smem:$0x3FB3] =	sst s0;
	s0 =	simm.s32 @!p2 $0x0  }
0x16: {  	s3 =	sld [smem:$0x3FDB];
	s0 =	simm.s32 @p2 $0x1  }
0x17: {  	s4 =	simm.s32 $0x1BF5;
	[smem:$0x3FB5] =	sst s0  }
0x18: {  	s0 =	sld [smem:$0x3F98];
	_ =	swait.ge [sflag:s4], $0x0  }
0x19: {  	s7 =	sld [smem:$0x3F99]  }
0x1a: {  	s8 =	sadd.s32 $0xFFFFE003, lr  }
0x1b: {  	s9 =	sadd.s32 $0xFFFFFEF7, lr;
	s5 =	simm.s32 $0xFFFFFFFF;
	p2 =	slt.u32 s8, $0xFFFFF086  }
0x1c: {  	p1 =	slt.u32 s9, $0xF7A;
	s5 =	simm.s32 @!p2 $0x0  }
0x1d: {  	s5 =	simm.s32 @p1 $0x1;
	p0 =	seq.s32 s7, s2  }
0x1e: {  	s7 =	smul.u32 @!p0 $0xF7A, s2;
	p2 =	seq.s32 @!p0 s5, $0x0  }
0x1f: {  	s9 =	smul.u32 $0xF7A, s1;
	s8 =	simm.s32 @!p0 $0x1BF5;
	p2 =	por !p2, p0  }
0x20: {  	[sflag:s8] =	ssyncset.s32 @!p0 $0xFFFFF086;
	s6 =	sadd.s32 @!p0 s3, s7;
	s7 =	simm.s32 @!p0 $0x108  }
0x21: {  	s3 =	sadd.s32 s3, s9;
	s6 =	sadd.s32 @!p0 $0x88, s6;
	s7 =	simm.s32 @p2 $0x1082  }
0x22: {  	[simem:s7], [sflag:s8] =	dma.local @!p0 [hbm:s6], $0xF7A  }
0x23: {  	s9 =	sor.u32 $0xD0000000, s2;
	s6 =	simm.s32 $0x108;
	_ =	swait.ge @!p0 [sflag:s8], $0x0  }
0x24: {  	s3 =	sadd.s32 $0x88, s3;
	s6 =	simm.s32 @!p1 $0x1082;
	[sflag:s4] =	ssyncset.s32 $0xFFFFF086  }
0x25: {  	[simem:s6], [sflag:s4] =	dma.local [hbm:s3], $0xF7A  }
0x26: {  	[smem:$0x3F99] =	sst s1;
	(tag) =	ssettag s2;
	_ =	strace s9  }
0x27: {  	s1 =	sld [smem:$0x3FA9]  }
0x28: {  	s2 =	sld [smem:$0x3FAA]  }
0x29: {  	s4 =	sld [smem:$0x3FAC]  }
0x2a: {  	p0 =	seq.s32 s5, $0x0;
	s5 =	sld [smem:$0x3FAD]  }
0x2b: {  	s6 =	sld [smem:$0x3FAE]  }
0x2c: {  	s7 =	sld [smem:$0x3FAF]  }
0x2d: {  	s3 =	simm.s32 $0x108;
	s8 =	sld [smem:$0x3FB0]  }
0x2e: {  	s3 =	simm.s32 @!p0 $0x1082;
	s9 =	sld [smem:$0x3FB1]  }
0x2f: {  	lr =	sadd.s32 s0, s3;
	s0 =	sld [smem:$0x3FA8]  }
0x30: {  	s3 =	sld [smem:$0x3FAB]  }
0x31: {  	[smem:$0x3FB4] =	sst s10  }
0x32: {  	s10 =	sld [smem:$0x3FB2];
	_ =	sdelay $0x3  }
0x33: {  	p0 =	seq.s32 s10, $0x1;
	s10 =	sld [smem:$0x3FB4];
	_ =	sdelay $0x3  }
0x34: {  	[smem:$0x3FB4] =	sst s10  }
0x35: {  	s10 =	sld [smem:$0x3FB3];
	_ =	sdelay $0x3  }
0x36: {  	p1 =	seq.s32 s10, $0x1;
	s10 =	sld [smem:$0x3FB4];
	_ =	sdelay $0x3  }
0x37: {  	[smem:$0x3FB4] =	sst s10  }
0x38: {  	s10 =	sld [smem:$0x3FB5]  }
0x39: {  	_ = 	snop;
	(pc) =	sbr.ind lr, $3  }
0x3a: {  	_ = 	snop  }
0x3b: {  	_ = 	snop  }
0x3c: {  	p2 =	seq.s32 s10, $0x1;
	s10 =	sld [smem:$0x3FB4]  }
0x3d: {  	_ =	shalt  }
0x3e: {  	_ =	shalt  }
0x3f: {  	_ =	shalt  }
0x40: {  	_ =	shalt  }
0x41: {  	_ =	shalt  }
0x42: {  	_ =	shalt  }
0x43: {  	_ =	shalt  }
0x44: {  	_ =	shalt  }
0x45: {  	_ =	shalt  }
0x46: {  	_ =	shalt  }
0x47: {  	_ =	shalt  }
0x48: {  	_ =	shalt  }
0x49: {  	_ =	shalt  }
0x4a: {  	_ =	shalt  }
0x4b: {  	_ =	shalt  }
0x4c: {  	_ =	shalt  }
0x4d: {  	_ =	shalt  }
0x4e: {  	_ =	shalt  }
0x4f: {  	_ =	shalt  }
0x50: {  	_ =	shalt  }
0x51: {  	_ =	shalt  }
0x52: {  	_ =	shalt  }
0x53: {  	_ =	shalt  }
0x54: {  	_ =	shalt  }
0x55: {  	_ =	shalt  }
0x56: {  	_ =	shalt  }
0x57: {  	_ =	shalt  }
0x58: {  	_ =	shalt  }
0x59: {  	_ =	shalt  }
0x5a: {  	_ =	shalt  }
0x5b: {  	_ =	shalt  }
0x5c: {  	_ =	shalt  }
0x5d: {  	_ =	shalt  }
0x5e: {  	_ =	shalt  }
0x5f: {  	_ =	shalt  }
0x60: {  	_ =	shalt  }
0x61: {  	_ =	shalt  }
0x62: {  	_ =	shalt  }
0x63: {  	_ =	shalt  }
0x64: {  	_ =	shalt  }
0x65: {  	_ =	shalt  }
0x66: {  	_ =	shalt  }
0x67: {  	_ =	shalt  }
0x68: {  	_ =	shalt  }
0x69: {  	_ =	shalt  }
0x6a: {  	_ =	shalt  }
0x6b: {  	_ =	shalt  }
0x6c: {  	_ =	shalt  }
0x6d: {  	_ =	shalt  }
0x6e: {  	_ =	shalt  }
0x6f: {  	_ =	shalt  }
0x70: {  	_ =	shalt  }
0x71: {  	_ =	shalt  }
0x72: {  	_ =	shalt  }
0x73: {  	_ =	shalt  }
0x74: {  	_ =	shalt  }
0x75: {  	_ =	shalt  }
0x76: {  	_ =	shalt  }
0x77: {  	_ =	shalt  }
0x78: {  	_ =	shalt  }
0x79: {  	_ =	shalt  }
0x7a: {  	_ =	shalt  }
0x7b: {  	_ =	shalt  }
0x7c: {  	_ =	shalt  }
0x7d: {  	_ =	shalt  }
0x7e: {  	_ =	shalt  }
0x7f: {  	_ =	shalt  }
0x80: {  	_ =	shalt  }
0x81: {  	_ =	shalt  }
0x82: {  	_ =	shalt  }
0x83: {  	_ =	shalt  }
0x84: {  	_ =	shalt  }
0x85: {  	_ =	shalt  }
0x86: {  	_ =	shalt  }
0x87: {  	_ =	shalt  }
.Lfunc_end0:
.L_simem_size_0:
called_computation_lowered:
.L_overlay_start_0:
0x88: {  	s2 =	sld [smem:$0x3FD9]  }
0x89: {  	s3 =	sld [smem:$0x3FFE];
	_ =	sdelay $0x1  }
0x8a: {  	s1 =	srdreg.scid  }
0x8b: {  	s0 =	sand.u32 $0x1, s1  }
0x8c: {  	s17 =	sshll.u32 s0, $0xA;
	s2 =	sadd.s32 s3, s2  }
0x8d: {  	s2 =	sadd.s32 s2, s17  }
0x8e: {  	[smem:$0x3FC0] =	sst s2  }
0x8f: {  	_ = 	snop  }
0x90: {  	s2 =	sld [smem:$0x3FC9];
	(tm) =	ssettm $0x1  }
0x91: {  	s18 =	sld [smem:$0x3FFB];
	_ =	sdelay $0x3  }
0x92: {  	_ =	strace s18  }
0x93: {  	s3 =	sld [smem:$0x3FFC];
	_ =	sdelay $0x3  }
0x94: {  	_ =	strace s3  }
0x95: {  	s3 =	sld [smem:$0x3FFD];
	_ =	sdelay $0x3  }
0x96: {  	_ =	strace s3  }
0x97: {  	_ =	strace $0x8FFFFFFF  }
0x98: {  	s19 =	sld [smem:$0x3FDB];
	_ =	sdelay $0x1  }
0x99: {  	s4 =	simm.s32 $_scs_section_size  }
0x9a: {  	s5 =	simm.s32 $_size__tile_overlayer_lowered;
	s6 =	simm.s32 $_tile_overlayer_lowered  }
0x9b: {  	s22 =	simm.s32 $0x1BFF;
	s21 =	sshll.u32 s6, $0x1;
	s3 =	sadd.s32 s4, s19  }
0x9c: {  	s7 =	simm.s32 $0x0;
	s20 =	sshll.u32 s5, $0x1;
	s5 =	sadd.s32 s21, s3  }
0x9d: {  	[timem:s7], [sflag:s22] =	dma.local [hbm:s5], s20  }
0x9e: {  	_ =	swait.ge [sflag:s22], s20  }
0x9f: {  	s4 =	ssub.s32 $0x0, s20;
	[sflag:s22] =	ssyncset.done $0x0  }
0xa0: {  	[sflag:s22] =	ssyncadd.s32 s4;
	_ =	sdelay $0x1  }
0xa1: {  	s23 =	simm.s32 $0x1B8B  }
0xa2: {  	_ =	swait.ge [sflag:s23], $0x1  }
0xa3: {  	[sflag:s23] =	ssyncset.done $0x0  }
0xa4: {  	s25 =	simm.s32 $0x1B8E;
	s24 =	sld [smem:$0x3FFE];
	[sflag:s23] =	ssyncadd.s32 $0xFFFFFFFF  }
0xa5: {  	s26 =	simm.s32 $execute0_lowered;
	[smem:$0x3FD2] =	sst s25  }
0xa6: {  	s5 =	sshll.u32 s26, $0x1;
	_ =	strace $0x80000046;
	[dreg:$0x1] =	wrdreg $0xFFFFFFFF  }
0xa7: {  	s28 =	simm.s32 $_size_execute0_lowered;
	s3 =	sadd.s32 s3, s5;
	[dreg:$0x0] =	wrdreg $0x0  }
0xa8: {  	s5 =	sshll.u32 s28, $0x1;
	[dreg:$0x2] =	wrdreg s3  }
0xa9: {  	[dreg:$0x3] =	wrdreg s5  }
0xaa: {  	[dreg:$0x4] =	wrdreg $0xC0  }
0xab: {  	_ =	task [dreg:s7], $0x5FFFF  }
0xac: {  	[dreg:$0x1] =	wrdreg $0xFFFFFFFF  }
0xad: {  	[dreg:$0x0] =	wrdreg $0x60  }
0xae: {  	[dreg:$0x2] =	wrdreg s2  }
0xaf: {  	[dreg:$0x3] =	wrdreg s24  }
0xb0: {  	[dreg:$0x4] =	wrdreg $0x89000  }
0xb1: {  	[dreg:$0x5] =	wrdreg $0x9  }
0xb2: {  	_ =	task.clear_ibuf [dreg:s7], $0x6FFFF;
	_ =	strace $0x90000046  }
0xb3: {  	s29 =	simm.s32 $0x9;
	_ =	strace $0x80000048  }
0xb4: {  	_ =	swait.ge [sflag:s29], $0x1  }
0xb5: {  	[sflag:s29] =	ssyncadd.s32 $0xFFFFFFFF  }
0xb6: {  	_ =	strace $0x90000048  }
0xb7: {  	_ =	sfence  }
0xb8: {  	s30 =	sld [smem:$0x0];
	_ =	sdelay $0x2  }
0xb9: {  	s31 =	sshll.u32 s1, $0xD;
	s1 =	sshrl.u32 s1, $0x2  }
0xba: {  	s3 =	sand.u32 $0x4000, s31;
	s1 =	sadd.s32 s1, s30  }
0xbb: {  	s0 =	sor.u32 s3, s0;
	s1 =	sshll.u32 s1, $0x11  }
0xbc: {  	s0 =	sor.u32 s1, s0  }
0xbd: {  	s0 =	sadd.s32 $0x8F2B, s0  }
0xbe: {  	[sflag:s0] =	ssyncadd.remote.s32 $0x1  }
0xbf: {  	_ =	sfence.sel $0xFFFF  }
0xc0: {  	[dreg:$0x0] =	wrdreg $0xFFFFFFFF;
	(pc) =	sbr.abs _section_cstart, $3  }
0xc1: {  	[dreg:$0x1] =	wrdreg $0xFFFFFFFF  }
0xc2: {  	_ =	task.clear_ibuf [dreg:s7], $0x2FFFF;
	_ =	strace $0x9FFFFFFF  }
0xc3: {  	(tm) =	ssettm $0x7FFFFFFF  }
tec
execute0_lowered:
.L_overlay_start_1:
0x0: {  	(tag) =	ssettag $0x1  }
0x1: {  	s1 =	rddreg [dreg:$0x0]  }
0x2: {  	s5 =	rddreg [dreg:$0x1]  }
0x3: {  	s3 =	rddreg [dreg:$0x2]  }
0x4: {  	s0 =	rddreg [dreg:$0x3];
	s4 =	simm.s32 $0x0  }
0x5: {  	s6 =	srdreg.scid;
	s2 =	stileid.u32;
	s14 =	simm.s32 $0x4800  }
0x6: {  	s15 =	simm.s32 $0x4900;
	s16 =	simm.s32 $0x1;
	s17 =	simm.s32 $0x4880  }
0x7: {  	s18 =	simm.s32 $0x0;
	s6 =	sand.u32 $0x1, s6;
	s7 =	smul.u32 $0x90, s2  }
0x8: {  	s8 =	sshll.u32 s2, $0x4;
	[smem:$0x7FF] =	sst s4;
	s9 =	smul.u32 $0x2780, s2  }
0x9: {  	s10 =	sadd.s32 $0x34600, s5;
	s12 =	smul.u32 $0x4F000, s2;
	s13 =	sadd.s32 $0x5BE00, s5  }
0xa: {  	s31 =	sshll.u32 s2, $0x6;
	p0 =	seq.s32 s6, $0x0;
	s8 =	sor.u32 $0x900, s8  }
0xb: {  	_ =	strace $0x80000047;
	s6 =	ssub.s32 $0x2, s6;
	s8 =	smov.u32 @p0 s7  }
0xc: {  	s29 =	sadd.s32 s9, s5;
	s11 =	sshrl.u32 s6, $0x1;
	s30 =	sshrl.u32 s12, $0x2  }
0xd: {  	s13 =	smov.u32 @p0 s10;
	s10 =	simm.s32 $0x2;
	s7 =	sshll.u32 s8, $0x4  }
0xe: {  	s11 =	ssub.s32 s6, s11;
	s12 =	sadd.s32 s30, s3;
	s9 =	sadd.s32 s13, s9  }
0xf: {  	s13 =	simm.s32 $0x80;
	s7 =	sadd.s32 s7, s5;
	s5 =	simm.s32 $0x90  }
0x10: {  	s8 =	smax.u32 s11, $0x1;
	s11 =	sor.u32 $0x1C02, s31;
	s12 =	sshrl.u32 s12, $0x3  }
0x11: {  	s5 =	simm.s32 @!p0 $0x10;
	s6 =	sadd.s32 $0x2E00, s7;
	s7 =	sadd.s32 $0xCE00, s29  }
.LBB2_1:
0x12: {  	[tilespmem:s4], [sflag:$0x2] =	stream.linear.gather [hbm4b:s6+s4], $0x4800, $0x38;
	[tilespmem:$0x1C500] =	vst v63  }
0x13: {  	_ =	swait.ge [sflag:s10], $0x4800  }
0x14: {  	[sflag:s10] =	ssyncset.done $0x0  }
0x15: {  	[sflag:s10] =	ssyncadd.s32 $0xFFFFB800  }
0x16: {  	[spmem:s12], [sflag:s11] =	dma.local [hbm:s7], $0x2780  }
0x17: {  	_ =	swait.ge [sflag:s10], $0x2780  }
0x18: {  	[sflag:s10] =	ssyncset.done $0x0  }
0x19: {  	[sflag:s10] =	ssyncadd.s32 $0xFFFFD880  }
0x1a: {  	s19 =	simm.s32 $0x40;
	[bflag:$0x0] =	sbarrier.arrive $0xFFFF  }
0x1b: {  	v0 =	vld [tilespmem:s19+$0xFFFFFFC0];
	_ =	sdelay $0x4  }
0x1c: {  	v1 =	vand.u32 $0xFFFF, v0  }
0x1d: {  	v0 =	vshrl.u32 v0, $0x10;
	[tilespmem:$0x4800] =	vst v1  }
0x1e: {  	[tilespmem:$0x4880] =	vst v0  }
0x1f: {  	v0 =	vld [tilespmem:s19+$0xFFFFFFD0];
	_ =	sdelay $0x4  }
0x20: {  	v1 =	vand.u32 $0xFFFF, v0  }
0x21: {  	v0 =	vshrl.u32 v0, $0x10;
	[tilespmem:$0x4810] =	vst v1  }
0x22: {  	[tilespmem:$0x4890] =	vst v0  }
0x23: {  	v0 =	vld [tilespmem:s19+$0xFFFFFFE0];
	_ =	sdelay $0x4  }
0x24: {  	v1 =	vand.u32 $0xFFFF, v0  }
0x25: {  	v0 =	vshrl.u32 v0, $0x10;
	[tilespmem:$0x4820] =	vst v1  }
0x26: {  	[tilespmem:$0x48A0] =	vst v0  }
0x27: {  	v0 =	vld [tilespmem:s19+$0xFFFFFFF0];
	_ =	sdelay $0x4  }
0x28: {  	v1 =	vand.u32 $0xFFFF, v0  }
0x29: {  	v0 =	vshrl.u32 v0, $0x10;
	[tilespmem:$0x4830] =	vst v1  }
0x2a: {  	[tilespmem:$0x48B0] =	vst v0  }
0x2b: {  	v0 =	vld [tilespmem:s19+$0x0];
	_ =	sdelay $0x4  }
0x2c: {  	v1 =	vand.u32 $0xFFFF, v0  }
0x2d: {  	v0 =	vshrl.u32 v0, $0x10;
	[tilespmem:$0x4840] =	vst v1  }
0x2e: {  	[tilespmem:$0x48C0] =	vst v0  }
0x2f: {  	v0 =	vld [tilespmem:s19+$0x10];
	_ =	sdelay $0x4  }
0x30: {  	v1 =	vand.u32 $0xFFFF, v0  }
0x31: {  	v0 =	vshrl.u32 v0, $0x10;
	[tilespmem:$0x4850] =	vst v1  }
0x32: {  	[tilespmem:$0x48D0] =	vst v0  }
0x33: {  	v0 =	vld [tilespmem:s19+$0x20];
	_ =	sdelay $0x4  }
0x34: {  	v1 =	vand.u32 $0xFFFF, v0  }
0x35: {  	v0 =	vshrl.u32 v0, $0x10;
	[tilespmem:$0x4860] =	vst v1  }
0x36: {  	[tilespmem:$0x48E0] =	vst v0  }
0x37: {  	v0 =	vld [tilespmem:s19+$0x30]  }
0x38: {  	p0 =	sne.s32 s5, $0x1  }
.Ltmp0:
0x39: {  	_ = 	snop;
	(pc) =	sbr.rel @!p0 .LBB2_3-.Ltmp0, $3  }
0x3a: {  	_ =	sdelay $0x1  }
0x3b: {  	v1 =	vand.u32 $0xFFFF, v0  }
0x3c: {  	s20 =	sadd.s32 $0xFFFFFFFF, s5;
	v0 =	vshrl.u32 v0, $0x10;
	[tilespmem:$0x4870] =	vst v1  }
.LBB2_2:
0x3d: {  	p0 =	sne.s32 s20, $0x1;
	s20 =	sadd.s32 $0xFFFFFFFF, s20;
	[tilespmem:$0x48F0] =	vst v0;
	s19 =	sadd.s32 $0x80, s19  }
0x3e: {  	[tilespmem:s15], [sflag:$0x1] =	stream.indirect.gather [hbm4b:s1+s13], $0x80, s14, s13, $0xb8;
	[tilespmem:$0x1C500] =	vst v63  }
0x3f: {  	_ =	swait.ge [sflag:s16], $0x4000  }
0x40: {  	[sflag:s16] =	ssyncset.done $0x0  }
0x41: {  	[sflag:s16] =	ssyncadd.s32 $0xFFFFC000  }
0x42: {  	[spmem:s3] =	stream.indirect.scatter.add.f32 [tilespmem:s15], [sflag:$0x2], $0x80, s17, s13, $0xb8;
	[tilespmem:$0x1C500] =	vst v63  }
0x43: {  	_ =	swait.ge [sflag:s10], $0x4000  }
0x44: {  	[sflag:s10] =	ssyncset.done $0x0  }
0x45: {  	[sflag:s10] =	ssyncadd.s32 $0xFFFFC000  }
0x46: {  	v0 =	vld [tilespmem:s19+$0xFFFFFFC0];
	_ =	sdelay $0x4  }
0x47: {  	v1 =	vand.u32 $0xFFFF, v0;
	v0 =	vshrl.u32 v0, $0x10  }
0x48: {  	[tilespmem:$0x4800] =	vst v1  }
0x49: {  	[tilespmem:$0x4880] =	vst v0  }
0x4a: {  	v0 =	vld [tilespmem:s19+$0xFFFFFFD0];
	_ =	sdelay $0x4  }
0x4b: {  	v1 =	vand.u32 $0xFFFF, v0;
	v0 =	vshrl.u32 v0, $0x10  }
0x4c: {  	[tilespmem:$0x4810] =	vst v1  }
0x4d: {  	[tilespmem:$0x4890] =	vst v0  }
0x4e: {  	v0 =	vld [tilespmem:s19+$0xFFFFFFE0];
	_ =	sdelay $0x4  }
0x4f: {  	v1 =	vand.u32 $0xFFFF, v0;
	v0 =	vshrl.u32 v0, $0x10  }
0x50: {  	[tilespmem:$0x4820] =	vst v1  }
0x51: {  	[tilespmem:$0x48A0] =	vst v0  }
0x52: {  	v0 =	vld [tilespmem:s19+$0xFFFFFFF0];
	_ =	sdelay $0x4  }
0x53: {  	v1 =	vand.u32 $0xFFFF, v0;
	v0 =	vshrl.u32 v0, $0x10  }
0x54: {  	[tilespmem:$0x4830] =	vst v1  }
0x55: {  	[tilespmem:$0x48B0] =	vst v0  }
0x56: {  	v0 =	vld [tilespmem:s19+$0x0];
	_ =	sdelay $0x4  }
0x57: {  	v1 =	vand.u32 $0xFFFF, v0;
	v0 =	vshrl.u32 v0, $0x10  }
0x58: {  	[tilespmem:$0x4840] =	vst v1  }
0x59: {  	[tilespmem:$0x48C0] =	vst v0  }
0x5a: {  	v0 =	vld [tilespmem:s19+$0x10];
	_ =	sdelay $0x4  }
0x5b: {  	v1 =	vand.u32 $0xFFFF, v0;
	v0 =	vshrl.u32 v0, $0x10  }
0x5c: {  	[tilespmem:$0x4850] =	vst v1  }
0x5d: {  	[tilespmem:$0x48D0] =	vst v0  }
0x5e: {  	v0 =	vld [tilespmem:s19+$0x20];
	_ =	sdelay $0x4  }
0x5f: {  	v1 =	vand.u32 $0xFFFF, v0;
	v0 =	vshrl.u32 v0, $0x10  }
0x60: {  	[tilespmem:$0x4860] =	vst v1  }
0x61: {  	[tilespmem:$0x48E0] =	vst v0  }
0x62: {  	v0 =	vld [tilespmem:s19+$0x30];
	_ =	sdelay $0x1  }
.Ltmp1:
0x63: {  	(pc) =	sbr.rel @p0 .LBB2_2-.Ltmp1, $3  }
0x64: {  	_ =	sdelay $0x1  }
0x65: {  	v1 =	vand.u32 $0xFFFF, v0;
	v0 =	vshrl.u32 v0, $0x10  }
0x66: {  	[tilespmem:$0x4870] =	vst v1  }
.LBB2_3:
0x67: {  	[tilespmem:$0x48F0] =	vst v0  }
0x68: {  	[tilespmem:s15], [sflag:$0x1] =	stream.indirect.gather [hbm4b:s1+s13], $0x80, s14, s13, $0xb8;
	[tilespmem:$0x1C500] =	vst v63  }
0x69: {  	_ =	swait.ge [sflag:s16], $0x4000  }
0x6a: {  	[sflag:s16] =	ssyncset.done $0x0  }
0x6b: {  	[sflag:s16] =	ssyncadd.s32 $0xFFFFC000  }
0x6c: {  	[spmem:s3] =	stream.indirect.scatter.add.f32 [tilespmem:s15], [sflag:$0x2], $0x80, s17, s13, $0xb8;
	[tilespmem:$0x1C500] =	vst v63  }
0x6d: {  	_ =	swait.ge [sflag:s10], $0x4000  }
0x6e: {  	s18 =	sadd.s32 $0x1, s18;
	[sflag:s10] =	ssyncset.done $0x0  }
0x6f: {  	p0 =	sne.s32 s18, s8;
	[sflag:s10] =	ssyncadd.s32 $0xFFFFC000  }
.Ltmp2:
0x70: {  	[bflag:$0x0] =	sbarrier.arrive $0xFFFF;
	(pc) =	sbr.rel @p0 .LBB2_1-.Ltmp2, $4  }
0x71: {  	[hbm:s9], [sflag:s11] =	dma.local [spmem:s12], $0x2780  }
0x72: {  	_ =	swait.ge [sflag:s10], $0x2780  }
0x73: {  	[sflag:s10] =	ssyncset.done $0x0  }
0x74: {  	[sflag:s10] =	ssyncadd.s32 $0xFFFFD880  }
0x75: {  	_ =	sfence.sel $0x180000  }
0x76: {  	[bflag:$0x0] =	sbarrier.arrive $0xFFFF  }
0x77: {  	p0 =	sne.s32 s2, $0x0;
	_ =	strace $0x90000047  }
0x78: {  	s0 =	sadd.s32 @!p0 $0x100000, s0;
	[bflag:$0x2] =	sbarrier.arrive $0xFFFF  }
0x79: {  	[sflag:s0] =	ssyncadd.tile.s32 @!p0 $0x1;
	_ =	shalt  }
.Lfunc_end2:
_tile_overlayer_lowered:
.L_overlay_start_2:
0x7a: {  	(tag) =	ssettag $0x2  }
0x7b: {  	s0 =	rddreg [dreg:$0x0];
	s2 =	stileid.u32  }
0x7c: {  	s1 =	rddreg [dreg:$0x1];
	p0 =	sne.s32 s2, $0x0  }
0x7d: {  	s3 =	rddreg [dreg:$0x2];
	[bflag:$0x3] =	sbarrier.arrive $0xFFFF;
	s2 =	simm.s32 @!p0 $0x1C02  }
0x7e: {  	[timem:s3], [sflag:s2] =	dma.local @!p0 [hbm:s0], s1  }
0x7f: {  	s0 =	simm.s32 @!p0 $0x2  }
0x80: {  	_ =	swait.ge @!p0 [sflag:s0], s1  }
0x81: {  	s1 =	ssub.s32 @!p0 $0x0, s1;
	[sflag:s0] =	ssyncset.done @!p0 $0x0  }
0x82: {  	[sflag:s0] =	ssyncadd.s32 @!p0 s1  }
0x83: {  	[bflag:$0x3] =	sbarrier.arrive $0xFFFF  }
0x84: {  	_ =	shalt  }

// kernel: kernel.9.cloned.1.call-start
scs
__scs_entry_jumppad:
0x0: {  	(pc) =	sbr.rel $0x88, $3  }
0x1: {  	(tag) =	ssettag $0x0;
	lr =	simm.s32 $0x1  }
0x2: {  	[smem:$0x3F99] =	sst lr;
	_ =	strace $0xD0000000  }
0x3: {  	_ = 	snop  }
0x4: {  	_ = 	snop  }
0x5: {  	_ = 	snop  }
0x6: {  	_ = 	snop  }
0x7: {  	_ = 	snop  }
__scs_overlays_trampoline_lowered:
0x8: {  	[smem:$0x3FA8] =	sst s0  }
0x9: {  	[smem:$0x3FA9] =	sst s1  }
0xa: {  	[smem:$0x3FAA] =	sst s2  }
0xb: {  	[smem:$0x3FAB] =	sst s3  }
0xc: {  	[smem:$0x3FAC] =	sst s4  }
0xd: {  	[smem:$0x3FAD] =	sst s5  }
0xe: {  	[smem:$0x3FAE] =	sst s6  }
0xf: {  	[smem:$0x3FAF] =	sst s7  }
0x10: {  	[smem:$0x3FB0] =	sst s8  }
0x11: {  	[smem:$0x3FB1] =	sst s9;
	s0 =	simm.s32 @!p0 $0x0  }
0x12: {  	s1 =	sld [smem:$0x3F97];
	s0 =	simm.s32 @p0 $0x1  }
0x13: {  	[smem:$0x3FB2] =	sst s0;
	s0 =	simm.s32 @!p1 $0x0  }
0x14: {  	s2 =	sld [smem:$0x3F96];
	s0 =	simm.s32 @p1 $0x1  }
0x15: {  	[smem:$0x3FB3] =	sst s0;
	s0 =	simm.s32 @!p2 $0x0  }
0x16: {  	s3 =	sld [smem:$0x3FDB];
	s0 =	simm.s32 @p2 $0x1  }
0x17: {  	s4 =	simm.s32 $0x1BF5;
	[smem:$0x3FB5] =	sst s0  }
0x18: {  	s0 =	sld [smem:$0x3F98];
	_ =	swait.ge [sflag:s4], $0x0  }
0x19: {  	s7 =	sld [smem:$0x3F99]  }
0x1a: {  	s8 =	sadd.s32 $0xFFFFE003, lr  }
0x1b: {  	s9 =	sadd.s32 $0xFFFFFEF7, lr;
	s5 =	simm.s32 $0xFFFFFFFF;
	p2 =	slt.u32 s8, $0xFFFFF086  }
0x1c: {  	p1 =	slt.u32 s9, $0xF7A;
	s5 =	simm.s32 @!p2 $0x0  }
0x1d: {  	s5 =	simm.s32 @p1 $0x1;
	p0 =	seq.s32 s7, s2  }
0x1e: {  	s7 =	smul.u32 @!p0 $0xF7A, s2;
	p2 =	seq.s32 @!p0 s5, $0x0  }
0x1f: {  	s9 =	smul.u32 $0xF7A, s1;
	s8 =	simm.s32 @!p0 $0x1BF5;
	p2 =	por !p2, p0  }
0x20: {  	[sflag:s8] =	ssyncset.s32 @!p0 $0xFFFFF086;
	s6 =	sadd.s32 @!p0 s3, s7;
	s7 =	simm.s32 @!p0 $0x108  }
0x21: {  	s3 =	sadd.s32 s3, s9;
	s6 =	sadd.s32 @!p0 $0x88, s6;
	s7 =	simm.s32 @p2 $0x1082  }
0x22: {  	[simem:s7], [sflag:s8] =	dma.local @!p0 [hbm:s6], $0xF7A  }
0x23: {  	s9 =	sor.u32 $0xD0000000, s2;
	s6 =	simm.s32 $0x108;
	_ =	swait.ge @!p0 [sflag:s8], $0x0  }
0x24: {  	s3 =	sadd.s32 $0x88, s3;
	s6 =	simm.s32 @!p1 $0x1082;
	[sflag:s4] =	ssyncset.s32 $0xFFFFF086  }
0x25: {  	[simem:s6], [sflag:s4] =	dma.local [hbm:s3], $0xF7A  }
0x26: {  	[smem:$0x3F99] =	sst s1;
	(tag) =	ssettag s2;
	_ =	strace s9  }
0x27: {  	s1 =	sld [smem:$0x3FA9]  }
0x28: {  	s2 =	sld [smem:$0x3FAA]  }
0x29: {  	s4 =	sld [smem:$0x3FAC]  }
0x2a: {  	p0 =	seq.s32 s5, $0x0;
	s5 =	sld [smem:$0x3FAD]  }
0x2b: {  	s6 =	sld [smem:$0x3FAE]  }
0x2c: {  	s7 =	sld [smem:$0x3FAF]  }
0x2d: {  	s3 =	simm.s32 $0x108;
	s8 =	sld [smem:$0x3FB0]  }
0x2e: {  	s3 =	simm.s32 @!p0 $0x1082;
	s9 =	sld [smem:$0x3FB1]  }
0x2f: {  	lr =	sadd.s32 s0, s3;
	s0 =	sld [smem:$0x3FA8]  }
0x30: {  	s3 =	sld [smem:$0x3FAB]  }
0x31: {  	[smem:$0x3FB4] =	sst s10  }
0x32: {  	s10 =	sld [smem:$0x3FB2];
	_ =	sdelay $0x3  }
0x33: {  	p0 =	seq.s32 s10, $0x1;
	s10 =	sld [smem:$0x3FB4];
	_ =	sdelay $0x3  }
0x34: {  	[smem:$0x3FB4] =	sst s10  }
0x35: {  	s10 =	sld [smem:$0x3FB3];
	_ =	sdelay $0x3  }
0x36: {  	p1 =	seq.s32 s10, $0x1;
	s10 =	sld [smem:$0x3FB4];
	_ =	sdelay $0x3  }
0x37: {  	[smem:$0x3FB4] =	sst s10  }
0x38: {  	s10 =	sld [smem:$0x3FB5]  }
0x39: {  	_ = 	snop;
	(pc) =	sbr.ind lr, $3  }
0x3a: {  	_ = 	snop  }
0x3b: {  	_ = 	snop  }
0x3c: {  	p2 =	seq.s32 s10, $0x1;
	s10 =	sld [smem:$0x3FB4]  }
0x3d: {  	_ =	shalt  }
0x3e: {  	_ =	shalt  }
0x3f: {  	_ =	shalt  }
0x40: {  	_ =	shalt  }
0x41: {  	_ =	shalt  }
0x42: {  	_ =	shalt  }
0x43: {  	_ =	shalt  }
0x44: {  	_ =	shalt  }
0x45: {  	_ =	shalt  }
0x46: {  	_ =	shalt  }
0x47: {  	_ =	shalt  }
0x48: {  	_ =	shalt  }
0x49: {  	_ =	shalt  }
0x4a: {  	_ =	shalt  }
0x4b: {  	_ =	shalt  }
0x4c: {  	_ =	shalt  }
0x4d: {  	_ =	shalt  }
0x4e: {  	_ =	shalt  }
0x4f: {  	_ =	shalt  }
0x50: {  	_ =	shalt  }
0x51: {  	_ =	shalt  }
0x52: {  	_ =	shalt  }
0x53: {  	_ =	shalt  }
0x54: {  	_ =	shalt  }
0x55: {  	_ =	shalt  }
0x56: {  	_ =	shalt  }
0x57: {  	_ =	shalt  }
0x58: {  	_ =	shalt  }
0x59: {  	_ =	shalt  }
0x5a: {  	_ =	shalt  }
0x5b: {  	_ =	shalt  }
0x5c: {  	_ =	shalt  }
0x5d: {  	_ =	shalt  }
0x5e: {  	_ =	shalt  }
0x5f: {  	_ =	shalt  }
0x60: {  	_ =	shalt  }
0x61: {  	_ =	shalt  }
0x62: {  	_ =	shalt  }
0x63: {  	_ =	shalt  }
0x64: {  	_ =	shalt  }
0x65: {  	_ =	shalt  }
0x66: {  	_ =	shalt  }
0x67: {  	_ =	shalt  }
0x68: {  	_ =	shalt  }
0x69: {  	_ =	shalt  }
0x6a: {  	_ =	shalt  }
0x6b: {  	_ =	shalt  }
0x6c: {  	_ =	shalt  }
0x6d: {  	_ =	shalt  }
0x6e: {  	_ =	shalt  }
0x6f: {  	_ =	shalt  }
0x70: {  	_ =	shalt  }
0x71: {  	_ =	shalt  }
0x72: {  	_ =	shalt  }
0x73: {  	_ =	shalt  }
0x74: {  	_ =	shalt  }
0x75: {  	_ =	shalt  }
0x76: {  	_ =	shalt  }
0x77: {  	_ =	shalt  }
0x78: {  	_ =	shalt  }
0x79: {  	_ =	shalt  }
0x7a: {  	_ =	shalt  }
0x7b: {  	_ =	shalt  }
0x7c: {  	_ =	shalt  }
0x7d: {  	_ =	shalt  }
0x7e: {  	_ =	shalt  }
0x7f: {  	_ =	shalt  }
0x80: {  	_ =	shalt  }
0x81: {  	_ =	shalt  }
0x82: {  	_ =	shalt  }
0x83: {  	_ =	shalt  }
0x84: {  	_ =	shalt  }
0x85: {  	_ =	shalt  }
0x86: {  	_ =	shalt  }
0x87: {  	_ =	shalt  }
.Lfunc_end0:
.L_simem_size_0:
called_computation.1_lowered:
.L_overlay_start_0:
0x88: {  	s2 =	sld [smem:$0x3FD9]  }
0x89: {  	s3 =	sld [smem:$0x3FFE];
	_ =	sdelay $0x1  }
0x8a: {  	s1 =	srdreg.scid  }
0x8b: {  	s0 =	sand.u32 $0x1, s1  }
0x8c: {  	s17 =	sshll.u32 s0, $0xA;
	s2 =	sadd.s32 s3, s2  }
0x8d: {  	s2 =	sadd.s32 s2, s17  }
0x8e: {  	[smem:$0x3FC0] =	sst s2  }
0x8f: {  	_ = 	snop  }
0x90: {  	s2 =	sld [smem:$0x3FD0];
	(tm) =	ssettm $0x1  }
0x91: {  	s18 =	sld [smem:$0x3FFB];
	_ =	sdelay $0x3  }
0x92: {  	_ =	strace s18  }
0x93: {  	s3 =	sld [smem:$0x3FFC];
	_ =	sdelay $0x3  }
0x94: {  	_ =	strace s3  }
0x95: {  	s3 =	sld [smem:$0x3FFD];
	_ =	sdelay $0x3  }
0x96: {  	_ =	strace s3  }
0x97: {  	_ =	strace $0x8FFFFFFF  }
0x98: {  	s19 =	sld [smem:$0x3FDB];
	_ =	sdelay $0x1  }
0x99: {  	s4 =	simm.s32 $_scs_section_size  }
0x9a: {  	s5 =	simm.s32 $_size__tile_overlayer_lowered;
	s6 =	simm.s32 $_tile_overlayer_lowered  }
0x9b: {  	s22 =	simm.s32 $0x1BFF;
	s21 =	sshll.u32 s6, $0x1;
	s3 =	sadd.s32 s4, s19  }
0x9c: {  	s7 =	simm.s32 $0x0;
	s20 =	sshll.u32 s5, $0x1;
	s5 =	sadd.s32 s21, s3  }
0x9d: {  	[timem:s7], [sflag:s22] =	dma.local [hbm:s5], s20  }
0x9e: {  	_ =	swait.ge [sflag:s22], s20  }
0x9f: {  	s4 =	ssub.s32 $0x0, s20;
	[sflag:s22] =	ssyncset.done $0x0  }
0xa0: {  	[sflag:s22] =	ssyncadd.s32 s4;
	_ =	sdelay $0x1  }
0xa1: {  	s23 =	simm.s32 $0x1B8B  }
0xa2: {  	_ =	swait.ge [sflag:s23], $0x1  }
0xa3: {  	[sflag:s23] =	ssyncset.done $0x0  }
0xa4: {  	s25 =	simm.s32 $0x1B8E;
	s24 =	sld [smem:$0x3FFE];
	[sflag:s23] =	ssyncadd.s32 $0xFFFFFFFF  }
0xa5: {  	s26 =	simm.s32 $execute0_lowered;
	[smem:$0x3FD2] =	sst s25  }
0xa6: {  	s5 =	sshll.u32 s26, $0x1;
	_ =	strace $0x80000049;
	[dreg:$0x1] =	wrdreg $0xFFFFFFFF  }
0xa7: {  	s28 =	simm.s32 $_size_execute0_lowered;
	s3 =	sadd.s32 s3, s5;
	[dreg:$0x0] =	wrdreg $0x0  }
0xa8: {  	s5 =	sshll.u32 s28, $0x1;
	[dreg:$0x2] =	wrdreg s3  }
0xa9: {  	[dreg:$0x3] =	wrdreg s5  }
0xaa: {  	[dreg:$0x4] =	wrdreg $0xC0  }
0xab: {  	_ =	task [dreg:s7], $0x5FFFF  }
0xac: {  	[dreg:$0x1] =	wrdreg $0xFFFFFFFF  }
0xad: {  	[dreg:$0x0] =	wrdreg $0x60  }
0xae: {  	[dreg:$0x2] =	wrdreg s2  }
0xaf: {  	[dreg:$0x3] =	wrdreg s24  }
0xb0: {  	[dreg:$0x4] =	wrdreg $0x89000  }
0xb1: {  	[dreg:$0x5] =	wrdreg $0x9  }
0xb2: {  	_ =	task.clear_ibuf [dreg:s7], $0x6FFFF;
	_ =	strace $0x90000049  }
0xb3: {  	s29 =	simm.s32 $0x9;
	_ =	strace $0x8000004B  }
0xb4: {  	_ =	swait.ge [sflag:s29], $0x1  }
0xb5: {  	[sflag:s29] =	ssyncadd.s32 $0xFFFFFFFF  }
0xb6: {  	_ =	strace $0x9000004B  }
0xb7: {  	_ =	sfence  }
0xb8: {  	s30 =	sld [smem:$0x0];
	_ =	sdelay $0x2  }
0xb9: {  	s31 =	sshll.u32 s1, $0xD;
	s1 =	sshrl.u32 s1, $0x2  }
0xba: {  	s3 =	sand.u32 $0x4000, s31;
	s1 =	sadd.s32 s1, s30  }
0xbb: {  	s0 =	sor.u32 s3, s0;
	s1 =	sshll.u32 s1, $0x11  }
0xbc: {  	s0 =	sor.u32 s1, s0  }
0xbd: {  	s0 =	sadd.s32 $0x8F2B, s0  }
0xbe: {  	[sflag:s0] =	ssyncadd.remote.s32 $0x1  }
0xbf: {  	_ =	sfence.sel $0xFFFF  }
0xc0: {  	[dreg:$0x0] =	wrdreg $0xFFFFFFFF;
	(pc) =	sbr.abs _section_cstart, $3  }
0xc1: {  	[dreg:$0x1] =	wrdreg $0xFFFFFFFF  }
0xc2: {  	_ =	task.clear_ibuf [dreg:s7], $0x2FFFF;
	_ =	strace $0x9FFFFFFF  }
0xc3: {  	(tm) =	ssettm $0x7FFFFFFF  }
tec
execute0_lowered:
.L_overlay_start_1:
0x0: {  	(tag) =	ssettag $0x1  }
0x1: {  	s1 =	rddreg [dreg:$0x0]  }
0x2: {  	s5 =	rddreg [dreg:$0x1]  }
0x3: {  	s3 =	rddreg [dreg:$0x2]  }
0x4: {  	s0 =	rddreg [dreg:$0x3];
	s4 =	simm.s32 $0x0  }
0x5: {  	s6 =	srdreg.scid;
	s2 =	stileid.u32;
	s14 =	simm.s32 $0x4800  }
0x6: {  	s15 =	simm.s32 $0x4900;
	s16 =	simm.s32 $0x1;
	s17 =	simm.s32 $0x4880  }
0x7: {  	s18 =	simm.s32 $0x0;
	s6 =	sand.u32 $0x1, s6;
	s7 =	smul.u32 $0x90, s2  }
0x8: {  	s8 =	sshll.u32 s2, $0x4;
	[smem:$0x7FF] =	sst s4;
	s9 =	smul.u32 $0x2780, s2  }
0x9: {  	s10 =	sadd.s32 $0x34600, s5;
	s12 =	smul.u32 $0x4F000, s2;
	s13 =	sadd.s32 $0x5BE00, s5  }
0xa: {  	s31 =	sshll.u32 s2, $0x6;
	p0 =	seq.s32 s6, $0x0;
	s8 =	sor.u32 $0x900, s8  }
0xb: {  	_ =	strace $0x8000004A;
	s6 =	ssub.s32 $0x2, s6;
	s8 =	smov.u32 @p0 s7  }
0xc: {  	s29 =	sadd.s32 s9, s5;
	s11 =	sshrl.u32 s6, $0x1;
	s30 =	sshrl.u32 s12, $0x2  }
0xd: {  	s13 =	smov.u32 @p0 s10;
	s10 =	simm.s32 $0x2;
	s7 =	sshll.u32 s8, $0x4  }
0xe: {  	s11 =	ssub.s32 s6, s11;
	s12 =	sadd.s32 s30, s3;
	s9 =	sadd.s32 s13, s9  }
0xf: {  	s13 =	simm.s32 $0x80;
	s7 =	sadd.s32 s7, s5;
	s5 =	simm.s32 $0x90  }
0x10: {  	s8 =	smax.u32 s11, $0x1;
	s11 =	sor.u32 $0x1C02, s31;
	s12 =	sshrl.u32 s12, $0x3  }
0x11: {  	s5 =	simm.s32 @!p0 $0x10;
	s6 =	sadd.s32 $0x2E00, s7;
	s7 =	sadd.s32 $0xCE00, s29  }
.LBB2_1:
0x12: {  	[tilespmem:s4], [sflag:$0x2] =	stream.linear.gather [hbm4b:s6+s4], $0x4800, $0x38;
	[tilespmem:$0x1C500] =	vst v63  }
0x13: {  	_ =	swait.ge [sflag:s10], $0x4800  }
0x14: {  	[sflag:s10] =	ssyncset.done $0x0  }
0x15: {  	[sflag:s10] =	ssyncadd.s32 $0xFFFFB800  }
0x16: {  	[spmem:s12], [sflag:s11] =	dma.local [hbm:s7], $0x2780  }
0x17: {  	_ =	swait.ge [sflag:s10], $0x2780  }
0x18: {  	[sflag:s10] =	ssyncset.done $0x0  }
0x19: {  	[sflag:s10] =	ssyncadd.s32 $0xFFFFD880  }
0x1a: {  	s19 =	simm.s32 $0x40;
	[bflag:$0x0] =	sbarrier.arrive $0xFFFF  }
0x1b: {  	v0 =	vld [tilespmem:s19+$0xFFFFFFC0];
	_ =	sdelay $0x4  }
0x1c: {  	v1 =	vand.u32 $0xFFFF, v0  }
0x1d: {  	v0 =	vshrl.u32 v0, $0x10;
	[tilespmem:$0x4800] =	vst v1  }
0x1e: {  	[tilespmem:$0x4880] =	vst v0  }
0x1f: {  	v0 =	vld [tilespmem:s19+$0xFFFFFFD0];
	_ =	sdelay $0x4  }
0x20: {  	v1 =	vand.u32 $0xFFFF, v0  }
0x21: {  	v0 =	vshrl.u32 v0, $0x10;
	[tilespmem:$0x4810] =	vst v1  }
0x22: {  	[tilespmem:$0x4890] =	vst v0  }
0x23: {  	v0 =	vld [tilespmem:s19+$0xFFFFFFE0];
	_ =	sdelay $0x4  }
0x24: {  	v1 =	vand.u32 $0xFFFF, v0  }
0x25: {  	v0 =	vshrl.u32 v0, $0x10;
	[tilespmem:$0x4820] =	vst v1  }
0x26: {  	[tilespmem:$0x48A0] =	vst v0  }
0x27: {  	v0 =	vld [tilespmem:s19+$0xFFFFFFF0];
	_ =	sdelay $0x4  }
0x28: {  	v1 =	vand.u32 $0xFFFF, v0  }
0x29: {  	v0 =	vshrl.u32 v0, $0x10;
	[tilespmem:$0x4830] =	vst v1  }
0x2a: {  	[tilespmem:$0x48B0] =	vst v0  }
0x2b: {  	v0 =	vld [tilespmem:s19+$0x0];
	_ =	sdelay $0x4  }
0x2c: {  	v1 =	vand.u32 $0xFFFF, v0  }
0x2d: {  	v0 =	vshrl.u32 v0, $0x10;
	[tilespmem:$0x4840] =	vst v1  }
0x2e: {  	[tilespmem:$0x48C0] =	vst v0  }
0x2f: {  	v0 =	vld [tilespmem:s19+$0x10];
	_ =	sdelay $0x4  }
0x30: {  	v1 =	vand.u32 $0xFFFF, v0  }
0x31: {  	v0 =	vshrl.u32 v0, $0x10;
	[tilespmem:$0x4850] =	vst v1  }
0x32: {  	[tilespmem:$0x48D0] =	vst v0  }
0x33: {  	v0 =	vld [tilespmem:s19+$0x20];
	_ =	sdelay $0x4  }
0x34: {  	v1 =	vand.u32 $0xFFFF, v0  }
0x35: {  	v0 =	vshrl.u32 v0, $0x10;
	[tilespmem:$0x4860] =	vst v1  }
0x36: {  	[tilespmem:$0x48E0] =	vst v0  }
0x37: {  	v0 =	vld [tilespmem:s19+$0x30]  }
0x38: {  	p0 =	sne.s32 s5, $0x1  }
.Ltmp0:
0x39: {  	_ = 	snop;
	(pc) =	sbr.rel @!p0 .LBB2_3-.Ltmp0, $3  }
0x3a: {  	_ =	sdelay $0x1  }
0x3b: {  	v1 =	vand.u32 $0xFFFF, v0  }
0x3c: {  	s20 =	sadd.s32 $0xFFFFFFFF, s5;
	v0 =	vshrl.u32 v0, $0x10;
	[tilespmem:$0x4870] =	vst v1  }
.LBB2_2:
0x3d: {  	p0 =	sne.s32 s20, $0x1;
	s20 =	sadd.s32 $0xFFFFFFFF, s20;
	[tilespmem:$0x48F0] =	vst v0;
	s19 =	sadd.s32 $0x80, s19  }
0x3e: {  	[tilespmem:s15], [sflag:$0x1] =	stream.indirect.gather [hbm4b:s1+s13], $0x80, s14, s13, $0xb8;
	[tilespmem:$0x1C500] =	vst v63  }
0x3f: {  	_ =	swait.ge [sflag:s16], $0x4000  }
0x40: {  	[sflag:s16] =	ssyncset.done $0x0  }
0x41: {  	[sflag:s16] =	ssyncadd.s32 $0xFFFFC000  }
0x42: {  	[spmem:s3] =	stream.indirect.scatter.add.f32 [tilespmem:s15], [sflag:$0x2], $0x80, s17, s13, $0xb8;
	[tilespmem:$0x1C500] =	vst v63  }
0x43: {  	_ =	swait.ge [sflag:s10], $0x4000  }
0x44: {  	[sflag:s10] =	ssyncset.done $0x0  }
0x45: {  	[sflag:s10] =	ssyncadd.s32 $0xFFFFC000  }
0x46: {  	v0 =	vld [tilespmem:s19+$0xFFFFFFC0];
	_ =	sdelay $0x4  }
0x47: {  	v1 =	vand.u32 $0xFFFF, v0;
	v0 =	vshrl.u32 v0, $0x10  }
0x48: {  	[tilespmem:$0x4800] =	vst v1  }
0x49: {  	[tilespmem:$0x4880] =	vst v0  }
0x4a: {  	v0 =	vld [tilespmem:s19+$0xFFFFFFD0];
	_ =	sdelay $0x4  }
0x4b: {  	v1 =	vand.u32 $0xFFFF, v0;
	v0 =	vshrl.u32 v0, $0x10  }
0x4c: {  	[tilespmem:$0x4810] =	vst v1  }
0x4d: {  	[tilespmem:$0x4890] =	vst v0  }
0x4e: {  	v0 =	vld [tilespmem:s19+$0xFFFFFFE0];
	_ =	sdelay $0x4  }
0x4f: {  	v1 =	vand.u32 $0xFFFF, v0;
	v0 =	vshrl.u32 v0, $0x10  }
0x50: {  	[tilespmem:$0x4820] =	vst v1  }
0x51: {  	[tilespmem:$0x48A0] =	vst v0  }
0x52: {  	v0 =	vld [tilespmem:s19+$0xFFFFFFF0];
	_ =	sdelay $0x4  }
0x53: {  	v1 =	vand.u32 $0xFFFF, v0;
	v0 =	vshrl.u32 v0, $0x10  }
0x54: {  	[tilespmem:$0x4830] =	vst v1  }
0x55: {  	[tilespmem:$0x48B0] =	vst v0  }
0x56: {  	v0 =	vld [tilespmem:s19+$0x0];
	_ =	sdelay $0x4  }
0x57: {  	v1 =	vand.u32 $0xFFFF, v0;
	v0 =	vshrl.u32 v0, $0x10  }
0x58: {  	[tilespmem:$0x4840] =	vst v1  }
0x59: {  	[tilespmem:$0x48C0] =	vst v0  }
0x5a: {  	v0 =	vld [tilespmem:s19+$0x10];
	_ =	sdelay $0x4  }
0x5b: {  	v1 =	vand.u32 $0xFFFF, v0;
	v0 =	vshrl.u32 v0, $0x10  }
0x5c: {  	[tilespmem:$0x4850] =	vst v1  }
0x5d: {  	[tilespmem:$0x48D0] =	vst v0  }
0x5e: {  	v0 =	vld [tilespmem:s19+$0x20];
	_ =	sdelay $0x4  }
0x5f: {  	v1 =	vand.u32 $0xFFFF, v0;
	v0 =	vshrl.u32 v0, $0x10  }
0x60: {  	[tilespmem:$0x4860] =	vst v1  }
0x61: {  	[tilespmem:$0x48E0] =	vst v0  }
0x62: {  	v0 =	vld [tilespmem:s19+$0x30];
	_ =	sdelay $0x1  }
.Ltmp1:
0x63: {  	(pc) =	sbr.rel @p0 .LBB2_2-.Ltmp1, $3  }
0x64: {  	_ =	sdelay $0x1  }
0x65: {  	v1 =	vand.u32 $0xFFFF, v0;
	v0 =	vshrl.u32 v0, $0x10  }
0x66: {  	[tilespmem:$0x4870] =	vst v1  }
.LBB2_3:
0x67: {  	[tilespmem:$0x48F0] =	vst v0  }
0x68: {  	[tilespmem:s15], [sflag:$0x1] =	stream.indirect.gather [hbm4b:s1+s13], $0x80, s14, s13, $0xb8;
	[tilespmem:$0x1C500] =	vst v63  }
0x69: {  	_ =	swait.ge [sflag:s16], $0x4000  }
0x6a: {  	[sflag:s16] =	ssyncset.done $0x0  }
0x6b: {  	[sflag:s16] =	ssyncadd.s32 $0xFFFFC000  }
0x6c: {  	[spmem:s3] =	stream.indirect.scatter.add.f32 [tilespmem:s15], [sflag:$0x2], $0x80, s17, s13, $0xb8;
	[tilespmem:$0x1C500] =	vst v63  }
0x6d: {  	_ =	swait.ge [sflag:s10], $0x4000  }
0x6e: {  	s18 =	sadd.s32 $0x1, s18;
	[sflag:s10] =	ssyncset.done $0x0  }
0x6f: {  	p0 =	sne.s32 s18, s8;
	[sflag:s10] =	ssyncadd.s32 $0xFFFFC000  }
.Ltmp2:
0x70: {  	[bflag:$0x0] =	sbarrier.arrive $0xFFFF;
	(pc) =	sbr.rel @p0 .LBB2_1-.Ltmp2, $4  }
0x71: {  	[hbm:s9], [sflag:s11] =	dma.local [spmem:s12], $0x2780  }
0x72: {  	_ =	swait.ge [sflag:s10], $0x2780  }
0x73: {  	[sflag:s10] =	ssyncset.done $0x0  }
0x74: {  	[sflag:s10] =	ssyncadd.s32 $0xFFFFD880  }
0x75: {  	_ =	sfence.sel $0x180000  }
0x76: {  	[bflag:$0x0] =	sbarrier.arrive $0xFFFF  }
0x77: {  	p0 =	sne.s32 s2, $0x0;
	_ =	strace $0x9000004A  }
0x78: {  	s0 =	sadd.s32 @!p0 $0x100000, s0;
	[bflag:$0x2] =	sbarrier.arrive $0xFFFF  }
0x79: {  	[sflag:s0] =	ssyncadd.tile.s32 @!p0 $0x1;
	_ =	shalt  }
.Lfunc_end2:
_tile_overlayer_lowered:
.L_overlay_start_2:
0x7a: {  	(tag) =	ssettag $0x2  }
0x7b: {  	s0 =	rddreg [dreg:$0x0];
	s2 =	stileid.u32  }
0x7c: {  	s1 =	rddreg [dreg:$0x1];
	p0 =	sne.s32 s2, $0x0  }
0x7d: {  	s3 =	rddreg [dreg:$0x2];
	[bflag:$0x3] =	sbarrier.arrive $0xFFFF;
	s2 =	simm.s32 @!p0 $0x1C02  }
0x7e: {  	[timem:s3], [sflag:s2] =	dma.local @!p0 [hbm:s0], s1  }
0x7f: {  	s0 =	simm.s32 @!p0 $0x2  }
0x80: {  	_ =	swait.ge @!p0 [sflag:s0], s1  }
0x81: {  	s1 =	ssub.s32 @!p0 $0x0, s1;
	[sflag:s0] =	ssyncset.done @!p0 $0x0  }
0x82: {  	[sflag:s0] =	ssyncadd.s32 @!p0 s1  }
0x83: {  	[bflag:$0x3] =	sbarrier.arrive $0xFFFF  }
0x84: {  	_ =	shalt  }

</sc_bundles>
